<compile_context>
chip_gen: v7x
topology: tpu7x:2x2x1
jax: 0.10.2.dev20260603
libtpu: 0.0.44.dev20260713+nightly
codegen_flags: <defaults>
</compile_context>

<pallas_src>
import functools

import jax
import jax.numpy as jnp
from jax import lax
from jax.experimental import pallas as pl
from jax.experimental.pallas import tpu as pltpu
from jax.experimental.pallas import tpu_sc as plsc

INPUT_DIM = 1000000
OUTPUT_DIM = 32
BATCH = 16384
SEQ = 50
SEQ_PAD = 52

NC = 2
NS = 16
NW = NC * NS

BPW = BATCH // NW
CHUNK = 128
BCH = BPW // CHUNK
CPW = SEQ * BCH
NBUF = 8
LEAD = 4
NROUND = CPW // NBUF

T1_COLS = 32768
T1_GRID = (INPUT_DIM + T1_COLS - 1) // T1_COLS
TBL_ROWS = T1_GRID * T1_COLS
T2_BATCH = 512
FPB = SEQ_PAD * OUTPUT_DIM


def _t1_body(x_ref, o_ref):
  y = x_ref[...].T
  q = T1_COLS // 4
  o_ref[...] = jnp.concatenate(
      [y[k * q:(k + 1) * q, :] for k in range(4)], axis=1)


def _table_linearize(table_t):
  return pl.pallas_call(
      _t1_body,
      grid=(T1_GRID,),
      in_specs=[pl.BlockSpec((OUTPUT_DIM, T1_COLS), lambda i: (0, i))],
      out_specs=pl.BlockSpec((T1_COLS // 4, 128), lambda i: (i, 0)),
      out_shape=jax.ShapeDtypeStruct((TBL_ROWS // 4, 128), jnp.float32),
  )(table_t)


NTILE = FPB // 128
FOUT = SEQ * OUTPUT_DIM


def _t2_body(x_ref, o_ref):
  x = x_ref[...]
  for j in range(NTILE):
    y = x[j].T
    if 128 * (j + 1) <= FOUT:
      o_ref[128 * j:128 * (j + 1), :] = y
    else:
      o_ref[128 * j:FOUT, :] = y[:FOUT - 128 * j, :]


def _out_transpose(out3d):
  return pl.pallas_call(
      _t2_body,
      grid=(BATCH // T2_BATCH,),
      in_specs=[pl.BlockSpec((NTILE, T2_BATCH, 128), lambda i: (0, i, 0))],
      out_specs=pl.BlockSpec((FOUT, T2_BATCH), lambda i: (0, i)),
      out_shape=jax.ShapeDtypeStruct((FOUT, BATCH), jnp.float32),
  )(out3d)


def _make_sc_kernel():
  mesh = plsc.VectorSubcoreMesh(core_axis_name="c", subcore_axis_name="s")

  @functools.partial(
      pl.kernel,
      out_type=jax.ShapeDtypeStruct((FPB // 128, BATCH, 128), jnp.float32),
      mesh=mesh,
      compiler_params=pltpu.CompilerParams(use_tc_tiling_on_sc=False),
      scratch_types=[
          pltpu.VMEM((SEQ, BPW), jnp.int32),
          [pltpu.VMEM((CHUNK, OUTPUT_DIM), jnp.float32)] * NBUF,
          [pltpu.SemaphoreType.DMA] * NBUF,
          [pltpu.SemaphoreType.DMA] * NBUF,
      ],
  )
  def k(idxt_hbm, table_hbm, out_hbm, idx_v, bufs, gsems, wsems):
    wid = lax.axis_index("s") * NC + lax.axis_index("c")
    b0 = wid * BPW
    pltpu.sync_copy(idxt_hbm.at[:, pl.ds(b0, BPW)], idx_v)

    def gather(j, b):
      s = j // BCH
      bc = (j % BCH) * CHUNK
      pltpu.async_copy(
          table_hbm.at[idx_v.at[s, pl.ds(bc, CHUNK)]], bufs[b], gsems[b])

    def gather_wait(b):
      pltpu.make_async_copy(
          table_hbm.at[idx_v.at[0, pl.ds(0, CHUNK)]], bufs[b],
          gsems[b]).wait()

    def write(j, b):
      s = j // BCH
      bc = (j % BCH) * CHUNK
      pltpu.async_copy(
          bufs[b],
          out_hbm.at[s // 4, pl.ds(b0 + bc, CHUNK),
                     pl.ds((s % 4) * OUTPUT_DIM, OUTPUT_DIM)],
          wsems[b])

    def write_wait(b):
      pltpu.make_async_copy(
          bufs[b], out_hbm.at[0, pl.ds(0, CHUNK), pl.ds(0, OUTPUT_DIM)],
          wsems[b]).wait()

    for b in range(LEAD):
      gather(b, b)

    def round_body(g, _):
      for b in range(NBUF):
        j = g * NBUF + b
        gather_wait(b)
        write(j, b)
        bb = (b + LEAD) % NBUF
        jn = j + LEAD
        if b < NBUF - LEAD:
          @pl.when(g >= 1)
          def _():
            write_wait(bb)
          gather(jn, bb)
        else:
          write_wait(bb)
          @pl.when(g < NROUND - 1)
          def _():
            gather(jn, bb)
      return _

    lax.fori_loop(0, NROUND, round_body, None)

    for b in range(NBUF - LEAD, NBUF):
      write_wait(b)

  return k


_sc_gather = _make_sc_kernel()


@jax.jit
def kernel(inputs, embeddings):
  table_lin = _table_linearize(embeddings.T)
  tbl = table_lin.reshape(TBL_ROWS, OUTPUT_DIM)
  t = inputs.astype(jnp.int32)
  lb = T1_COLS.bit_length() - 1
  qm = T1_COLS // 4 - 1
  idx_s = ((t >> lb) << lb) | ((t & qm) << 2) | ((t >> (lb - 2)) & 3)
  out = _sc_gather(idx_s.T, tbl)
  out_t = _out_transpose(out)
  return out_t.reshape(SEQ, OUTPUT_DIM, BATCH).transpose(2, 0, 1)

# --- scband reference (transcript-rebuilt; emitter-appended) ---
"""Pipeline reference for scband-embedding-19043884990914 (READ-ONLY COPY).

The authoritative reference and input builder live on the scoring server;
editing this copy changes nothing except your own understanding.
"""

import jax, jax.numpy as jnp
import numpy as np

INPUT_DIM = 1000000
OUTPUT_DIM = 32
BATCH = 16384
SEQ = 50

def setup_inputs(seed: int = 0) -> dict:
    key = jax.random.key(seed)
    k_idx, k_emb = jax.random.split(key)
    inputs = jax.random.randint(k_idx, (BATCH, SEQ), 0, INPUT_DIM, dtype=jnp.int64 if jax.config.jax_enable_x64 else jnp.int32)
    # Keras default 'uniform' initializer: U(-0.05, 0.05)
    embeddings = jax.random.uniform(k_emb, (INPUT_DIM, OUTPUT_DIM), minval=-0.05, maxval=0.05, dtype=jnp.float32)
    return {"inputs": inputs, "embeddings": embeddings}

def reference(inputs, embeddings):
    # Faithful to Embedding.call: ops.take(embeddings, inputs, axis=0)
    idx = inputs.astype(jnp.int32) if inputs.dtype not in (jnp.int32, jnp.int64) else inputs
    outputs = jnp.take(embeddings, idx, axis=0)
    return outputs.astype(jnp.float32)

if __name__ == "__main__":
    import jax
    _d = setup_inputs()
    print(jax.jit(kernel)(*tuple(_d.values())))

</pallas_src>

<mosaic_0001>
#map = affine_map<(d0, d1) -> (0, 0)>
#map1 = affine_map<(d0, d1) -> (0, 0, 0)>
module attributes {stable_mosaic.version = 14 : i64} {
  func.func @k(%arg0: i32, %arg1: i32, %arg2: memref<50x16384xi32, #tpu.memory_space<hbm>>, %arg3: memref<1015808x32xf32, #tpu.memory_space<hbm>>, %arg4: memref<13x16384x128xf32, #tpu.memory_space<hbm>>, %arg5: memref<50x512xi32, #tpu.memory_space<vmem>>, %arg6: memref<128x32xf32, #tpu.memory_space<vmem>>, %arg7: memref<128x32xf32, #tpu.memory_space<vmem>>, %arg8: memref<128x32xf32, #tpu.memory_space<vmem>>, %arg9: memref<128x32xf32, #tpu.memory_space<vmem>>, %arg10: memref<128x32xf32, #tpu.memory_space<vmem>>, %arg11: memref<128x32xf32, #tpu.memory_space<vmem>>, %arg12: memref<128x32xf32, #tpu.memory_space<vmem>>, %arg13: memref<128x32xf32, #tpu.memory_space<vmem>>, %arg14: memref<!tpu.dma_semaphore, #tpu.memory_space<semaphore_mem>>, %arg15: memref<!tpu.dma_semaphore, #tpu.memory_space<semaphore_mem>>, %arg16: memref<!tpu.dma_semaphore, #tpu.memory_space<semaphore_mem>>, %arg17: memref<!tpu.dma_semaphore, #tpu.memory_space<semaphore_mem>>, %arg18: memref<!tpu.dma_semaphore, #tpu.memory_space<semaphore_mem>>, %arg19: memref<!tpu.dma_semaphore, #tpu.memory_space<semaphore_mem>>, %arg20: memref<!tpu.dma_semaphore, #tpu.memory_space<semaphore_mem>>, %arg21: memref<!tpu.dma_semaphore, #tpu.memory_space<semaphore_mem>>, %arg22: memref<!tpu.dma_semaphore, #tpu.memory_space<semaphore_mem>>, %arg23: memref<!tpu.dma_semaphore, #tpu.memory_space<semaphore_mem>>, %arg24: memref<!tpu.dma_semaphore, #tpu.memory_space<semaphore_mem>>, %arg25: memref<!tpu.dma_semaphore, #tpu.memory_space<semaphore_mem>>, %arg26: memref<!tpu.dma_semaphore, #tpu.memory_space<semaphore_mem>>, %arg27: memref<!tpu.dma_semaphore, #tpu.memory_space<semaphore_mem>>, %arg28: memref<!tpu.dma_semaphore, #tpu.memory_space<semaphore_mem>>, %arg29: memref<!tpu.dma_semaphore, #tpu.memory_space<semaphore_mem>>) attributes {dimension_semantics = [#tpu.dimension_semantics<core_parallel>, #tpu.dimension_semantics<subcore_parallel>], iteration_bounds = array<i64: 2, 16>, scalar_prefetch = 0 : i64, scratch_operands = 25 : i64, tpu.core_type = #tpu.core_type<sc_vector_subcore>, window_params = [{transform_indices = #map}, {transform_indices = #map}, {transform_indices = #map1}]} {
    %mul3A = arith.constant 2 : i32
    %mul3A_0 = arith.muli %arg1, %mul3A : i32
    %add3A = arith.addi %mul3A_0, %arg0 : i32
    %mul3A_1 = arith.constant 512 : i32
    %mul3A_2 = arith.muli %add3A, %mul3A_1 : i32
    "tpu.region"() ({
      %run_scoped3A = tpu.sem_alloc : memref<!tpu.dma_semaphore, #tpu.memory_space<semaphore_mem>>
      %dma_start3A_69 = arith.constant 0 : i32
      %dma_start3A_70 = tpu.memref_slice %arg2[%dma_start3A_69, %mul3A_2] : memref<50x16384xi32, #tpu.memory_space<hbm>> -> memref<50x512xi32, #tpu.memory_space<hbm>>
      %dma_start3A_71 = arith.constant 0 : i32
      %dma_start3A_72 = tpu.memref_slice %arg2[%dma_start3A_71, %mul3A_2] : memref<50x16384xi32, #tpu.memory_space<hbm>> -> memref<50x512xi32, #tpu.memory_space<hbm>>
      tpu.enqueue_dma source(%dma_start3A_72 : memref<50x512xi32, #tpu.memory_space<hbm>>) target(%arg5 : memref<50x512xi32, #tpu.memory_space<vmem>>) target_semaphore(%run_scoped3A : memref<!tpu.dma_semaphore, #tpu.memory_space<semaphore_mem>>)
      %dma_wait3A_73 = arith.constant 0 : i32
      %dma_wait3A_74 = tpu.memref_slice %arg2[%dma_wait3A_73, %mul3A_2] : memref<50x16384xi32, #tpu.memory_space<hbm>> -> memref<50x512xi32, #tpu.memory_space<hbm>>
      %dma_wait3A_75 = arith.constant 0 : i32
      %dma_wait3A_76 = tpu.memref_slice %arg2[%dma_wait3A_75, %mul3A_2] : memref<50x16384xi32, #tpu.memory_space<hbm>> -> memref<50x512xi32, #tpu.memory_space<hbm>>
      tpu.wait_dma2 semaphore(%run_scoped3A : memref<!tpu.dma_semaphore, #tpu.memory_space<semaphore_mem>>) src(%dma_wait3A_76 : memref<50x512xi32, #tpu.memory_space<hbm>>) dst(%arg5 : memref<50x512xi32, #tpu.memory_space<vmem>>)
      tpu.yield
    }) : () -> ()
    %dma_start3A = arith.constant 0 : i32
    %dma_start3A_3 = arith.constant 0 : i32
    %dma_start3A_4 = tpu.memref_slice %arg5[%dma_start3A, %dma_start3A_3] : memref<50x512xi32, #tpu.memory_space<vmem>> -> memref<1x128xi32, #tpu.memory_space<vmem>>
    %dma_start3A_5 = tpu.memref_squeeze %dma_start3A_4 : memref<1x128xi32, #tpu.memory_space<vmem>> -> memref<128xi32, #tpu.memory_space<vmem>>
    %dma_start3A_6 = arith.constant 0 : i32
    %dma_start3A_7 = arith.constant 0 : i32
    %dma_start3A_8 = tpu.memref_slice %arg3[%dma_start3A_6, %dma_start3A_7] : memref<1015808x32xf32, #tpu.memory_space<hbm>> -> memref<1015808x32xf32, #tpu.memory_space<hbm>>
    tpu.enqueue_indirect_dma source(%dma_start3A_8 : memref<1015808x32xf32, #tpu.memory_space<hbm>>) target(%arg6 : memref<128x32xf32, #tpu.memory_space<vmem>>) offsets(%dma_start3A_5 : memref<128xi32, #tpu.memory_space<vmem>>) semaphore(%arg14 : memref<!tpu.dma_semaphore, #tpu.memory_space<semaphore_mem>>)
    %dma_start3A_9 = arith.constant 0 : i32
    %dma_start3A_10 = arith.constant 128 : i32
    %dma_start3A_11 = tpu.memref_slice %arg5[%dma_start3A_9, %dma_start3A_10] : memref<50x512xi32, #tpu.memory_space<vmem>> -> memref<1x128xi32, #tpu.memory_space<vmem>>
    %dma_start3A_12 = tpu.memref_squeeze %dma_start3A_11 : memref<1x128xi32, #tpu.memory_space<vmem>> -> memref<128xi32, #tpu.memory_space<vmem>>
    %dma_start3A_13 = arith.constant 0 : i32
    %dma_start3A_14 = arith.constant 0 : i32
    %dma_start3A_15 = tpu.memref_slice %arg3[%dma_start3A_13, %dma_start3A_14] : memref<1015808x32xf32, #tpu.memory_space<hbm>> -> memref<1015808x32xf32, #tpu.memory_space<hbm>>
    tpu.enqueue_indirect_dma source(%dma_start3A_15 : memref<1015808x32xf32, #tpu.memory_space<hbm>>) target(%arg7 : memref<128x32xf32, #tpu.memory_space<vmem>>) offsets(%dma_start3A_12 : memref<128xi32, #tpu.memory_space<vmem>>) semaphore(%arg15 : memref<!tpu.dma_semaphore, #tpu.memory_space<semaphore_mem>>)
    %dma_start3A_16 = arith.constant 0 : i32
    %dma_start3A_17 = arith.constant 256 : i32
    %dma_start3A_18 = tpu.memref_slice %arg5[%dma_start3A_16, %dma_start3A_17] : memref<50x512xi32, #tpu.memory_space<vmem>> -> memref<1x128xi32, #tpu.memory_space<vmem>>
    %dma_start3A_19 = tpu.memref_squeeze %dma_start3A_18 : memref<1x128xi32, #tpu.memory_space<vmem>> -> memref<128xi32, #tpu.memory_space<vmem>>
    %dma_start3A_20 = arith.constant 0 : i32
    %dma_start3A_21 = arith.constant 0 : i32
    %dma_start3A_22 = tpu.memref_slice %arg3[%dma_start3A_20, %dma_start3A_21] : memref<1015808x32xf32, #tpu.memory_space<hbm>> -> memref<1015808x32xf32, #tpu.memory_space<hbm>>
    tpu.enqueue_indirect_dma source(%dma_start3A_22 : memref<1015808x32xf32, #tpu.memory_space<hbm>>) target(%arg8 : memref<128x32xf32, #tpu.memory_space<vmem>>) offsets(%dma_start3A_19 : memref<128xi32, #tpu.memory_space<vmem>>) semaphore(%arg16 : memref<!tpu.dma_semaphore, #tpu.memory_space<semaphore_mem>>)
    %dma_start3A_23 = arith.constant 0 : i32
    %dma_start3A_24 = arith.constant 384 : i32
    %dma_start3A_25 = tpu.memref_slice %arg5[%dma_start3A_23, %dma_start3A_24] : memref<50x512xi32, #tpu.memory_space<vmem>> -> memref<1x128xi32, #tpu.memory_space<vmem>>
    %dma_start3A_26 = tpu.memref_squeeze %dma_start3A_25 : memref<1x128xi32, #tpu.memory_space<vmem>> -> memref<128xi32, #tpu.memory_space<vmem>>
    %dma_start3A_27 = arith.constant 0 : i32
    %dma_start3A_28 = arith.constant 0 : i32
    %dma_start3A_29 = tpu.memref_slice %arg3[%dma_start3A_27, %dma_start3A_28] : memref<1015808x32xf32, #tpu.memory_space<hbm>> -> memref<1015808x32xf32, #tpu.memory_space<hbm>>
    tpu.enqueue_indirect_dma source(%dma_start3A_29 : memref<1015808x32xf32, #tpu.memory_space<hbm>>) target(%arg9 : memref<128x32xf32, #tpu.memory_space<vmem>>) offsets(%dma_start3A_26 : memref<128xi32, #tpu.memory_space<vmem>>) semaphore(%arg17 : memref<!tpu.dma_semaphore, #tpu.memory_space<semaphore_mem>>)
    %scan3A = arith.constant 0 : i32
    %scan3A_30 = arith.constant 25 : i32
    %scan3A_31 = arith.addi %scan3A, %scan3A_30 : i32
    %scan3A_32 = arith.constant 1 : i32
    scf.for %scan3A_69 = %scan3A to %scan3A_31 step %scan3A_32  : i32 {
      %mul3A_70 = arith.constant 8 : i32
      %mul3A_71 = arith.muli %scan3A_69, %mul3A_70 : i32
      %add3A_72 = arith.constant 0 : i32
      %add3A_73 = arith.addi %mul3A_71, %add3A_72 : i32
      %dma_wait3A_74 = arith.constant 0 : i32
      %dma_wait3A_75 = arith.constant 0 : i32
      %dma_wait3A_76 = tpu.memref_slice %arg5[%dma_wait3A_74, %dma_wait3A_75] : memref<50x512xi32, #tpu.memory_space<vmem>> -> memref<1x128xi32, #tpu.memory_space<vmem>>
      %dma_wait3A_77 = tpu.memref_squeeze %dma_wait3A_76 : memref<1x128xi32, #tpu.memory_space<vmem>> -> memref<128xi32, #tpu.memory_space<vmem>>
      %dma_wait3A_78 = arith.constant 0 : i32
      %dma_wait3A_79 = arith.constant 0 : i32
      %dma_wait3A_80 = tpu.memref_slice %arg3[%dma_wait3A_78, %dma_wait3A_79] : memref<1015808x32xf32, #tpu.memory_space<hbm>> -> memref<1015808x32xf32, #tpu.memory_space<hbm>>
      tpu.wait_indirect_dma semaphore(%arg14 : memref<!tpu.dma_semaphore, #tpu.memory_space<semaphore_mem>>) src(%dma_wait3A_80 : memref<1015808x32xf32, #tpu.memory_space<hbm>>) dst(%arg6 : memref<128x32xf32, #tpu.memory_space<vmem>>)
      %jit3A = arith.constant 4 : i32
      %div3A = arith.divsi %add3A_73, %jit3A : i32
      %sign3A = arith.constant 0 : i32
      %sign3A_81 = arith.cmpi sgt, %add3A_73, %sign3A : i32
      %sign3A_82 = arith.extui %sign3A_81 : i1 to i32
      %sign3A_83 = arith.constant 0 : i32
      %sign3A_84 = arith.cmpi slt, %add3A_73, %sign3A_83 : i32
      %sign3A_85 = arith.extui %sign3A_84 : i1 to i32
      %sign3A_86 = arith.subi %sign3A_82, %sign3A_85 : i32
      %sign3A_87 = arith.constant 0 : i32
      %sign3A_88 = arith.cmpi sgt, %jit3A, %sign3A_87 : i32
      %sign3A_89 = arith.extui %sign3A_88 : i1 to i32
      %sign3A_90 = arith.constant 0 : i32
      %sign3A_91 = arith.cmpi slt, %jit3A, %sign3A_90 : i32
      %sign3A_92 = arith.extui %sign3A_91 : i1 to i32
      %sign3A_93 = arith.subi %sign3A_89, %sign3A_92 : i32
      %ne3A = arith.cmpi ne, %sign3A_86, %sign3A_93 : i32
      %rem3A = arith.remsi %add3A_73, %jit3A : i32
      %ne3A_94 = arith.constant 0 : i32
      %ne3A_95 = arith.cmpi ne, %rem3A, %ne3A_94 : i32
      %and3A = arith.andi %ne3A, %ne3A_95 : i1
      %sub3A = arith.constant 1 : i32
      %sub3A_96 = arith.subi %div3A, %sub3A : i32
      %select_n3A = arith.select %and3A, %sub3A_96, %div3A : i32
      %jit3A_97 = arith.constant 4 : i32
      %eq3A = arith.constant 0 : i32
      %eq3A_98 = arith.cmpi eq, %jit3A_97, %eq3A : i32
      %jit3A_99 = arith.constant 1 : i32
      %select_n3A_100 = arith.select %eq3A_98, %jit3A_99, %jit3A_97 : i32
      %rem3A_101 = arith.remsi %add3A_73, %select_n3A_100 : i32
      %ne3A_102 = arith.constant 0 : i32
      %ne3A_103 = arith.cmpi ne, %rem3A_101, %ne3A_102 : i32
      %lt3A = arith.constant 0 : i32
      %lt3A_104 = arith.cmpi slt, %rem3A_101, %lt3A : i32
      %lt3A_105 = arith.constant 0 : i32
      %lt3A_106 = arith.cmpi slt, %select_n3A_100, %lt3A_105 : i32
      %ne3A_107 = arith.xori %lt3A_104, %lt3A_106 : i1
      %and3A_108 = arith.andi %ne3A_107, %ne3A_103 : i1
      %add3A_109 = arith.addi %rem3A_101, %select_n3A_100 : i32
      %select_n3A_110 = arith.select %and3A_108, %add3A_109, %rem3A_101 : i32
      %mul3A_111 = arith.constant 128 : i32
      %mul3A_112 = arith.muli %select_n3A_110, %mul3A_111 : i32
      %jit3A_113 = arith.constant 4 : i32
      %div3A_114 = arith.divsi %select_n3A, %jit3A_113 : i32
      %sign3A_115 = arith.constant 0 : i32
      %sign3A_116 = arith.cmpi sgt, %select_n3A, %sign3A_115 : i32
      %sign3A_117 = arith.extui %sign3A_116 : i1 to i32
      %sign3A_118 = arith.constant 0 : i32
      %sign3A_119 = arith.cmpi slt, %select_n3A, %sign3A_118 : i32
      %sign3A_120 = arith.extui %sign3A_119 : i1 to i32
      %sign3A_121 = arith.subi %sign3A_117, %sign3A_120 : i32
      %sign3A_122 = arith.constant 0 : i32
      %sign3A_123 = arith.cmpi sgt, %jit3A_113, %sign3A_122 : i32
      %sign3A_124 = arith.extui %sign3A_123 : i1 to i32
      %sign3A_125 = arith.constant 0 : i32
      %sign3A_126 = arith.cmpi slt, %jit3A_113, %sign3A_125 : i32
      %sign3A_127 = arith.extui %sign3A_126 : i1 to i32
      %sign3A_128 = arith.subi %sign3A_124, %sign3A_127 : i32
      %ne3A_129 = arith.cmpi ne, %sign3A_121, %sign3A_128 : i32
      %rem3A_130 = arith.remsi %select_n3A, %jit3A_113 : i32
      %ne3A_131 = arith.constant 0 : i32
      %ne3A_132 = arith.cmpi ne, %rem3A_130, %ne3A_131 : i32
      %and3A_133 = arith.andi %ne3A_129, %ne3A_132 : i1
      %sub3A_134 = arith.constant 1 : i32
      %sub3A_135 = arith.subi %div3A_114, %sub3A_134 : i32
      %select_n3A_136 = arith.select %and3A_133, %sub3A_135, %div3A_114 : i32
      %add3A_137 = arith.addi %mul3A_2, %mul3A_112 : i32
      %jit3A_138 = arith.constant 4 : i32
      %eq3A_139 = arith.constant 0 : i32
      %eq3A_140 = arith.cmpi eq, %jit3A_138, %eq3A_139 : i32
      %jit3A_141 = arith.constant 1 : i32
      %select_n3A_142 = arith.select %eq3A_140, %jit3A_141, %jit3A_138 : i32
      %rem3A_143 = arith.remsi %select_n3A, %select_n3A_142 : i32
      %ne3A_144 = arith.constant 0 : i32
      %ne3A_145 = arith.cmpi ne, %rem3A_143, %ne3A_144 : i32
      %lt3A_146 = arith.constant 0 : i32
      %lt3A_147 = arith.cmpi slt, %rem3A_143, %lt3A_146 : i32
      %lt3A_148 = arith.constant 0 : i32
      %lt3A_149 = arith.cmpi slt, %select_n3A_142, %lt3A_148 : i32
      %ne3A_150 = arith.xori %lt3A_147, %lt3A_149 : i1
      %and3A_151 = arith.andi %ne3A_150, %ne3A_145 : i1
      %add3A_152 = arith.addi %rem3A_143, %select_n3A_142 : i32
      %select_n3A_153 = arith.select %and3A_151, %add3A_152, %rem3A_143 : i32
      %mul3A_154 = arith.constant 32 : i32
      %mul3A_155 = arith.muli %select_n3A_153, %mul3A_154 : i32
      %dma_start3A_156 = tpu.memref_slice %arg4[%select_n3A_136, %add3A_137, %mul3A_155] : memref<13x16384x128xf32, #tpu.memory_space<hbm>> -> memref<1x128x32xf32, #tpu.memory_space<hbm>>
      %dma_start3A_157 = tpu.memref_squeeze %dma_start3A_156 : memref<1x128x32xf32, #tpu.memory_space<hbm>> -> memref<128x32xf32, #tpu.memory_space<hbm>>
      %dma_start3A_158 = tpu.memref_slice %arg4[%select_n3A_136, %add3A_137, %mul3A_155] : memref<13x16384x128xf32, #tpu.memory_space<hbm>> -> memref<1x128x32xf32, #tpu.memory_space<hbm>>
      %dma_start3A_159 = tpu.memref_squeeze %dma_start3A_158 : memref<1x128x32xf32, #tpu.memory_space<hbm>> -> memref<128x32xf32, #tpu.memory_space<hbm>>
      tpu.enqueue_dma source(%arg6 : memref<128x32xf32, #tpu.memory_space<vmem>>) target(%dma_start3A_159 : memref<128x32xf32, #tpu.memory_space<hbm>>) target_semaphore(%arg22 : memref<!tpu.dma_semaphore, #tpu.memory_space<semaphore_mem>>)
      %add3A_160 = arith.constant 4 : i32
      %add3A_161 = arith.addi %add3A_73, %add3A_160 : i32
      %ge3A = arith.constant 1 : i32
      %ge3A_162 = arith.cmpi sge, %scan3A_69, %ge3A : i32
      %convert_element_type3A = arith.extui %ge3A_162 : i1 to i32
      %cond3A = arith.constant 0 : i32
      %cond3A_163 = arith.cmpi ne, %convert_element_type3A, %cond3A : i32
      scf.if %cond3A_163 {
        %dma_wait3A_1137 = arith.constant 0 : i32
        %dma_wait3A_1138 = arith.constant 0 : i32
        %dma_wait3A_1139 = arith.constant 0 : i32
        %dma_wait3A_1140 = tpu.memref_slice %arg4[%dma_wait3A_1137, %dma_wait3A_1138, %dma_wait3A_1139] : memref<13x16384x128xf32, #tpu.memory_space<hbm>> -> memref<1x128x32xf32, #tpu.memory_space<hbm>>
        %dma_wait3A_1141 = tpu.memref_squeeze %dma_wait3A_1140 : memref<1x128x32xf32, #tpu.memory_space<hbm>> -> memref<128x32xf32, #tpu.memory_space<hbm>>
        %dma_wait3A_1142 = arith.constant 0 : i32
        %dma_wait3A_1143 = arith.constant 0 : i32
        %dma_wait3A_1144 = tpu.memref_slice %arg4[%dma_wait3A_1137, %dma_wait3A_1142, %dma_wait3A_1143] : memref<13x16384x128xf32, #tpu.memory_space<hbm>> -> memref<1x128x32xf32, #tpu.memory_space<hbm>>
        %dma_wait3A_1145 = tpu.memref_squeeze %dma_wait3A_1144 : memref<1x128x32xf32, #tpu.memory_space<hbm>> -> memref<128x32xf32, #tpu.memory_space<hbm>>
        tpu.wait_dma2 semaphore(%arg26 : memref<!tpu.dma_semaphore, #tpu.memory_space<semaphore_mem>>) src(%arg10 : memref<128x32xf32, #tpu.memory_space<vmem>>) dst(%dma_wait3A_1145 : memref<128x32xf32, #tpu.memory_space<hbm>>)
      } else {
      }
      %jit3A_164 = arith.constant 4 : i32
      %div3A_165 = arith.divsi %add3A_161, %jit3A_164 : i32
      %sign3A_166 = arith.constant 0 : i32
      %sign3A_167 = arith.cmpi sgt, %add3A_161, %sign3A_166 : i32
      %sign3A_168 = arith.extui %sign3A_167 : i1 to i32
      %sign3A_169 = arith.constant 0 : i32
      %sign3A_170 = arith.cmpi slt, %add3A_161, %sign3A_169 : i32
      %sign3A_171 = arith.extui %sign3A_170 : i1 to i32
      %sign3A_172 = arith.subi %sign3A_168, %sign3A_171 : i32
      %sign3A_173 = arith.constant 0 : i32
      %sign3A_174 = arith.cmpi sgt, %jit3A_164, %sign3A_173 : i32
      %sign3A_175 = arith.extui %sign3A_174 : i1 to i32
      %sign3A_176 = arith.constant 0 : i32
      %sign3A_177 = arith.cmpi slt, %jit3A_164, %sign3A_176 : i32
      %sign3A_178 = arith.extui %sign3A_177 : i1 to i32
      %sign3A_179 = arith.subi %sign3A_175, %sign3A_178 : i32
      %ne3A_180 = arith.cmpi ne, %sign3A_172, %sign3A_179 : i32
      %rem3A_181 = arith.remsi %add3A_161, %jit3A_164 : i32
      %ne3A_182 = arith.constant 0 : i32
      %ne3A_183 = arith.cmpi ne, %rem3A_181, %ne3A_182 : i32
      %and3A_184 = arith.andi %ne3A_180, %ne3A_183 : i1
      %sub3A_185 = arith.constant 1 : i32
      %sub3A_186 = arith.subi %div3A_165, %sub3A_185 : i32
      %select_n3A_187 = arith.select %and3A_184, %sub3A_186, %div3A_165 : i32
      %jit3A_188 = arith.constant 4 : i32
      %eq3A_189 = arith.constant 0 : i32
      %eq3A_190 = arith.cmpi eq, %jit3A_188, %eq3A_189 : i32
      %jit3A_191 = arith.constant 1 : i32
      %select_n3A_192 = arith.select %eq3A_190, %jit3A_191, %jit3A_188 : i32
      %rem3A_193 = arith.remsi %add3A_161, %select_n3A_192 : i32
      %ne3A_194 = arith.constant 0 : i32
      %ne3A_195 = arith.cmpi ne, %rem3A_193, %ne3A_194 : i32
      %lt3A_196 = arith.constant 0 : i32
      %lt3A_197 = arith.cmpi slt, %rem3A_193, %lt3A_196 : i32
      %lt3A_198 = arith.constant 0 : i32
      %lt3A_199 = arith.cmpi slt, %select_n3A_192, %lt3A_198 : i32
      %ne3A_200 = arith.xori %lt3A_197, %lt3A_199 : i1
      %and3A_201 = arith.andi %ne3A_200, %ne3A_195 : i1
      %add3A_202 = arith.addi %rem3A_193, %select_n3A_192 : i32
      %select_n3A_203 = arith.select %and3A_201, %add3A_202, %rem3A_193 : i32
      %mul3A_204 = arith.constant 128 : i32
      %mul3A_205 = arith.muli %select_n3A_203, %mul3A_204 : i32
      %dma_start3A_206 = tpu.memref_slice %arg5[%select_n3A_187, %mul3A_205] : memref<50x512xi32, #tpu.memory_space<vmem>> -> memref<1x128xi32, #tpu.memory_space<vmem>>
      %dma_start3A_207 = tpu.memref_squeeze %dma_start3A_206 : memref<1x128xi32, #tpu.memory_space<vmem>> -> memref<128xi32, #tpu.memory_space<vmem>>
      %dma_start3A_208 = arith.constant 0 : i32
      %dma_start3A_209 = arith.constant 0 : i32
      %dma_start3A_210 = tpu.memref_slice %arg3[%dma_start3A_208, %dma_start3A_209] : memref<1015808x32xf32, #tpu.memory_space<hbm>> -> memref<1015808x32xf32, #tpu.memory_space<hbm>>
      tpu.enqueue_indirect_dma source(%dma_start3A_210 : memref<1015808x32xf32, #tpu.memory_space<hbm>>) target(%arg10 : memref<128x32xf32, #tpu.memory_space<vmem>>) offsets(%dma_start3A_207 : memref<128xi32, #tpu.memory_space<vmem>>) semaphore(%arg18 : memref<!tpu.dma_semaphore, #tpu.memory_space<semaphore_mem>>)
      %mul3A_211 = arith.constant 8 : i32
      %mul3A_212 = arith.muli %scan3A_69, %mul3A_211 : i32
      %add3A_213 = arith.constant 1 : i32
      %add3A_214 = arith.addi %mul3A_212, %add3A_213 : i32
      %dma_wait3A_215 = arith.constant 0 : i32
      %dma_wait3A_216 = arith.constant 0 : i32
      %dma_wait3A_217 = tpu.memref_slice %arg5[%dma_wait3A_215, %dma_wait3A_216] : memref<50x512xi32, #tpu.memory_space<vmem>> -> memref<1x128xi32, #tpu.memory_space<vmem>>
      %dma_wait3A_218 = tpu.memref_squeeze %dma_wait3A_217 : memref<1x128xi32, #tpu.memory_space<vmem>> -> memref<128xi32, #tpu.memory_space<vmem>>
      %dma_wait3A_219 = arith.constant 0 : i32
      %dma_wait3A_220 = arith.constant 0 : i32
      %dma_wait3A_221 = tpu.memref_slice %arg3[%dma_wait3A_219, %dma_wait3A_220] : memref<1015808x32xf32, #tpu.memory_space<hbm>> -> memref<1015808x32xf32, #tpu.memory_space<hbm>>
      tpu.wait_indirect_dma semaphore(%arg15 : memref<!tpu.dma_semaphore, #tpu.memory_space<semaphore_mem>>) src(%dma_wait3A_221 : memref<1015808x32xf32, #tpu.memory_space<hbm>>) dst(%arg7 : memref<128x32xf32, #tpu.memory_space<vmem>>)
      %jit3A_222 = arith.constant 4 : i32
      %div3A_223 = arith.divsi %add3A_214, %jit3A_222 : i32
      %sign3A_224 = arith.constant 0 : i32
      %sign3A_225 = arith.cmpi sgt, %add3A_214, %sign3A_224 : i32
      %sign3A_226 = arith.extui %sign3A_225 : i1 to i32
      %sign3A_227 = arith.constant 0 : i32
      %sign3A_228 = arith.cmpi slt, %add3A_214, %sign3A_227 : i32
      %sign3A_229 = arith.extui %sign3A_228 : i1 to i32
      %sign3A_230 = arith.subi %sign3A_226, %sign3A_229 : i32
      %sign3A_231 = arith.constant 0 : i32
      %sign3A_232 = arith.cmpi sgt, %jit3A_222, %sign3A_231 : i32
      %sign3A_233 = arith.extui %sign3A_232 : i1 to i32
      %sign3A_234 = arith.constant 0 : i32
      %sign3A_235 = arith.cmpi slt, %jit3A_222, %sign3A_234 : i32
      %sign3A_236 = arith.extui %sign3A_235 : i1 to i32
      %sign3A_237 = arith.subi %sign3A_233, %sign3A_236 : i32
      %ne3A_238 = arith.cmpi ne, %sign3A_230, %sign3A_237 : i32
      %rem3A_239 = arith.remsi %add3A_214, %jit3A_222 : i32
      %ne3A_240 = arith.constant 0 : i32
      %ne3A_241 = arith.cmpi ne, %rem3A_239, %ne3A_240 : i32
      %and3A_242 = arith.andi %ne3A_238, %ne3A_241 : i1
      %sub3A_243 = arith.constant 1 : i32
      %sub3A_244 = arith.subi %div3A_223, %sub3A_243 : i32
      %select_n3A_245 = arith.select %and3A_242, %sub3A_244, %div3A_223 : i32
      %jit3A_246 = arith.constant 4 : i32
      %eq3A_247 = arith.constant 0 : i32
      %eq3A_248 = arith.cmpi eq, %jit3A_246, %eq3A_247 : i32
      %jit3A_249 = arith.constant 1 : i32
      %select_n3A_250 = arith.select %eq3A_248, %jit3A_249, %jit3A_246 : i32
      %rem3A_251 = arith.remsi %add3A_214, %select_n3A_250 : i32
      %ne3A_252 = arith.constant 0 : i32
      %ne3A_253 = arith.cmpi ne, %rem3A_251, %ne3A_252 : i32
      %lt3A_254 = arith.constant 0 : i32
      %lt3A_255 = arith.cmpi slt, %rem3A_251, %lt3A_254 : i32
      %lt3A_256 = arith.constant 0 : i32
      %lt3A_257 = arith.cmpi slt, %select_n3A_250, %lt3A_256 : i32
      %ne3A_258 = arith.xori %lt3A_255, %lt3A_257 : i1
      %and3A_259 = arith.andi %ne3A_258, %ne3A_253 : i1
      %add3A_260 = arith.addi %rem3A_251, %select_n3A_250 : i32
      %select_n3A_261 = arith.select %and3A_259, %add3A_260, %rem3A_251 : i32
      %mul3A_262 = arith.constant 128 : i32
      %mul3A_263 = arith.muli %select_n3A_261, %mul3A_262 : i32
      %jit3A_264 = arith.constant 4 : i32
      %div3A_265 = arith.divsi %select_n3A_245, %jit3A_264 : i32
      %sign3A_266 = arith.constant 0 : i32
      %sign3A_267 = arith.cmpi sgt, %select_n3A_245, %sign3A_266 : i32
      %sign3A_268 = arith.extui %sign3A_267 : i1 to i32
      %sign3A_269 = arith.constant 0 : i32
      %sign3A_270 = arith.cmpi slt, %select_n3A_245, %sign3A_269 : i32
      %sign3A_271 = arith.extui %sign3A_270 : i1 to i32
      %sign3A_272 = arith.subi %sign3A_268, %sign3A_271 : i32
      %sign3A_273 = arith.constant 0 : i32
      %sign3A_274 = arith.cmpi sgt, %jit3A_264, %sign3A_273 : i32
      %sign3A_275 = arith.extui %sign3A_274 : i1 to i32
      %sign3A_276 = arith.constant 0 : i32
      %sign3A_277 = arith.cmpi slt, %jit3A_264, %sign3A_276 : i32
      %sign3A_278 = arith.extui %sign3A_277 : i1 to i32
      %sign3A_279 = arith.subi %sign3A_275, %sign3A_278 : i32
      %ne3A_280 = arith.cmpi ne, %sign3A_272, %sign3A_279 : i32
      %rem3A_281 = arith.remsi %select_n3A_245, %jit3A_264 : i32
      %ne3A_282 = arith.constant 0 : i32
      %ne3A_283 = arith.cmpi ne, %rem3A_281, %ne3A_282 : i32
      %and3A_284 = arith.andi %ne3A_280, %ne3A_283 : i1
      %sub3A_285 = arith.constant 1 : i32
      %sub3A_286 = arith.subi %div3A_265, %sub3A_285 : i32
      %select_n3A_287 = arith.select %and3A_284, %sub3A_286, %div3A_265 : i32
      %add3A_288 = arith.addi %mul3A_2, %mul3A_263 : i32
      %jit3A_289 = arith.constant 4 : i32
      %eq3A_290 = arith.constant 0 : i32
      %eq3A_291 = arith.cmpi eq, %jit3A_289, %eq3A_290 : i32
      %jit3A_292 = arith.constant 1 : i32
      %select_n3A_293 = arith.select %eq3A_291, %jit3A_292, %jit3A_289 : i32
      %rem3A_294 = arith.remsi %select_n3A_245, %select_n3A_293 : i32
      %ne3A_295 = arith.constant 0 : i32
      %ne3A_296 = arith.cmpi ne, %rem3A_294, %ne3A_295 : i32
      %lt3A_297 = arith.constant 0 : i32
      %lt3A_298 = arith.cmpi slt, %rem3A_294, %lt3A_297 : i32
      %lt3A_299 = arith.constant 0 : i32
      %lt3A_300 = arith.cmpi slt, %select_n3A_293, %lt3A_299 : i32
      %ne3A_301 = arith.xori %lt3A_298, %lt3A_300 : i1
      %and3A_302 = arith.andi %ne3A_301, %ne3A_296 : i1
      %add3A_303 = arith.addi %rem3A_294, %select_n3A_293 : i32
      %select_n3A_304 = arith.select %and3A_302, %add3A_303, %rem3A_294 : i32
      %mul3A_305 = arith.constant 32 : i32
      %mul3A_306 = arith.muli %select_n3A_304, %mul3A_305 : i32
      %dma_start3A_307 = tpu.memref_slice %arg4[%select_n3A_287, %add3A_288, %mul3A_306] : memref<13x16384x128xf32, #tpu.memory_space<hbm>> -> memref<1x128x32xf32, #tpu.memory_space<hbm>>
      %dma_start3A_308 = tpu.memref_squeeze %dma_start3A_307 : memref<1x128x32xf32, #tpu.memory_space<hbm>> -> memref<128x32xf32, #tpu.memory_space<hbm>>
      %dma_start3A_309 = tpu.memref_slice %arg4[%select_n3A_287, %add3A_288, %mul3A_306] : memref<13x16384x128xf32, #tpu.memory_space<hbm>> -> memref<1x128x32xf32, #tpu.memory_space<hbm>>
      %dma_start3A_310 = tpu.memref_squeeze %dma_start3A_309 : memref<1x128x32xf32, #tpu.memory_space<hbm>> -> memref<128x32xf32, #tpu.memory_space<hbm>>
      tpu.enqueue_dma source(%arg7 : memref<128x32xf32, #tpu.memory_space<vmem>>) target(%dma_start3A_310 : memref<128x32xf32, #tpu.memory_space<hbm>>) target_semaphore(%arg23 : memref<!tpu.dma_semaphore, #tpu.memory_space<semaphore_mem>>)
      %add3A_311 = arith.constant 4 : i32
      %add3A_312 = arith.addi %add3A_214, %add3A_311 : i32
      %ge3A_313 = arith.constant 1 : i32
      %ge3A_314 = arith.cmpi sge, %scan3A_69, %ge3A_313 : i32
      %convert_element_type3A_315 = arith.extui %ge3A_314 : i1 to i32
      %cond3A_316 = arith.constant 0 : i32
      %cond3A_317 = arith.cmpi ne, %convert_element_type3A_315, %cond3A_316 : i32
      scf.if %cond3A_317 {
        %dma_wait3A_1137 = arith.constant 0 : i32
        %dma_wait3A_1138 = arith.constant 0 : i32
        %dma_wait3A_1139 = arith.constant 0 : i32
        %dma_wait3A_1140 = tpu.memref_slice %arg4[%dma_wait3A_1137, %dma_wait3A_1138, %dma_wait3A_1139] : memref<13x16384x128xf32, #tpu.memory_space<hbm>> -> memref<1x128x32xf32, #tpu.memory_space<hbm>>
        %dma_wait3A_1141 = tpu.memref_squeeze %dma_wait3A_1140 : memref<1x128x32xf32, #tpu.memory_space<hbm>> -> memref<128x32xf32, #tpu.memory_space<hbm>>
        %dma_wait3A_1142 = arith.constant 0 : i32
        %dma_wait3A_1143 = arith.constant 0 : i32
        %dma_wait3A_1144 = tpu.memref_slice %arg4[%dma_wait3A_1137, %dma_wait3A_1142, %dma_wait3A_1143] : memref<13x16384x128xf32, #tpu.memory_space<hbm>> -> memref<1x128x32xf32, #tpu.memory_space<hbm>>
        %dma_wait3A_1145 = tpu.memref_squeeze %dma_wait3A_1144 : memref<1x128x32xf32, #tpu.memory_space<hbm>> -> memref<128x32xf32, #tpu.memory_space<hbm>>
        tpu.wait_dma2 semaphore(%arg27 : memref<!tpu.dma_semaphore, #tpu.memory_space<semaphore_mem>>) src(%arg11 : memref<128x32xf32, #tpu.memory_space<vmem>>) dst(%dma_wait3A_1145 : memref<128x32xf32, #tpu.memory_space<hbm>>)
      } else {
      }
      %jit3A_318 = arith.constant 4 : i32
      %div3A_319 = arith.divsi %add3A_312, %jit3A_318 : i32
      %sign3A_320 = arith.constant 0 : i32
      %sign3A_321 = arith.cmpi sgt, %add3A_312, %sign3A_320 : i32
      %sign3A_322 = arith.extui %sign3A_321 : i1 to i32
      %sign3A_323 = arith.constant 0 : i32
      %sign3A_324 = arith.cmpi slt, %add3A_312, %sign3A_323 : i32
      %sign3A_325 = arith.extui %sign3A_324 : i1 to i32
      %sign3A_326 = arith.subi %sign3A_322, %sign3A_325 : i32
      %sign3A_327 = arith.constant 0 : i32
      %sign3A_328 = arith.cmpi sgt, %jit3A_318, %sign3A_327 : i32
      %sign3A_329 = arith.extui %sign3A_328 : i1 to i32
      %sign3A_330 = arith.constant 0 : i32
      %sign3A_331 = arith.cmpi slt, %jit3A_318, %sign3A_330 : i32
      %sign3A_332 = arith.extui %sign3A_331 : i1 to i32
      %sign3A_333 = arith.subi %sign3A_329, %sign3A_332 : i32
      %ne3A_334 = arith.cmpi ne, %sign3A_326, %sign3A_333 : i32
      %rem3A_335 = arith.remsi %add3A_312, %jit3A_318 : i32
      %ne3A_336 = arith.constant 0 : i32
      %ne3A_337 = arith.cmpi ne, %rem3A_335, %ne3A_336 : i32
      %and3A_338 = arith.andi %ne3A_334, %ne3A_337 : i1
      %sub3A_339 = arith.constant 1 : i32
      %sub3A_340 = arith.subi %div3A_319, %sub3A_339 : i32
      %select_n3A_341 = arith.select %and3A_338, %sub3A_340, %div3A_319 : i32
      %jit3A_342 = arith.constant 4 : i32
      %eq3A_343 = arith.constant 0 : i32
      %eq3A_344 = arith.cmpi eq, %jit3A_342, %eq3A_343 : i32
      %jit3A_345 = arith.constant 1 : i32
      %select_n3A_346 = arith.select %eq3A_344, %jit3A_345, %jit3A_342 : i32
      %rem3A_347 = arith.remsi %add3A_312, %select_n3A_346 : i32
      %ne3A_348 = arith.constant 0 : i32
      %ne3A_349 = arith.cmpi ne, %rem3A_347, %ne3A_348 : i32
      %lt3A_350 = arith.constant 0 : i32
      %lt3A_351 = arith.cmpi slt, %rem3A_347, %lt3A_350 : i32
      %lt3A_352 = arith.constant 0 : i32
      %lt3A_353 = arith.cmpi slt, %select_n3A_346, %lt3A_352 : i32
      %ne3A_354 = arith.xori %lt3A_351, %lt3A_353 : i1
      %and3A_355 = arith.andi %ne3A_354, %ne3A_349 : i1
      %add3A_356 = arith.addi %rem3A_347, %select_n3A_346 : i32
      %select_n3A_357 = arith.select %and3A_355, %add3A_356, %rem3A_347 : i32
      %mul3A_358 = arith.constant 128 : i32
      %mul3A_359 = arith.muli %select_n3A_357, %mul3A_358 : i32
      %dma_start3A_360 = tpu.memref_slice %arg5[%select_n3A_341, %mul3A_359] : memref<50x512xi32, #tpu.memory_space<vmem>> -> memref<1x128xi32, #tpu.memory_space<vmem>>
      %dma_start3A_361 = tpu.memref_squeeze %dma_start3A_360 : memref<1x128xi32, #tpu.memory_space<vmem>> -> memref<128xi32, #tpu.memory_space<vmem>>
      %dma_start3A_362 = arith.constant 0 : i32
      %dma_start3A_363 = arith.constant 0 : i32
      %dma_start3A_364 = tpu.memref_slice %arg3[%dma_start3A_362, %dma_start3A_363] : memref<1015808x32xf32, #tpu.memory_space<hbm>> -> memref<1015808x32xf32, #tpu.memory_space<hbm>>
      tpu.enqueue_indirect_dma source(%dma_start3A_364 : memref<1015808x32xf32, #tpu.memory_space<hbm>>) target(%arg11 : memref<128x32xf32, #tpu.memory_space<vmem>>) offsets(%dma_start3A_361 : memref<128xi32, #tpu.memory_space<vmem>>) semaphore(%arg19 : memref<!tpu.dma_semaphore, #tpu.memory_space<semaphore_mem>>)
      %mul3A_365 = arith.constant 8 : i32
      %mul3A_366 = arith.muli %scan3A_69, %mul3A_365 : i32
      %add3A_367 = arith.constant 2 : i32
      %add3A_368 = arith.addi %mul3A_366, %add3A_367 : i32
      %dma_wait3A_369 = arith.constant 0 : i32
      %dma_wait3A_370 = arith.constant 0 : i32
      %dma_wait3A_371 = tpu.memref_slice %arg5[%dma_wait3A_369, %dma_wait3A_370] : memref<50x512xi32, #tpu.memory_space<vmem>> -> memref<1x128xi32, #tpu.memory_space<vmem>>
      %dma_wait3A_372 = tpu.memref_squeeze %dma_wait3A_371 : memref<1x128xi32, #tpu.memory_space<vmem>> -> memref<128xi32, #tpu.memory_space<vmem>>
      %dma_wait3A_373 = arith.constant 0 : i32
      %dma_wait3A_374 = arith.constant 0 : i32
      %dma_wait3A_375 = tpu.memref_slice %arg3[%dma_wait3A_373, %dma_wait3A_374] : memref<1015808x32xf32, #tpu.memory_space<hbm>> -> memref<1015808x32xf32, #tpu.memory_space<hbm>>
      tpu.wait_indirect_dma semaphore(%arg16 : memref<!tpu.dma_semaphore, #tpu.memory_space<semaphore_mem>>) src(%dma_wait3A_375 : memref<1015808x32xf32, #tpu.memory_space<hbm>>) dst(%arg8 : memref<128x32xf32, #tpu.memory_space<vmem>>)
      %jit3A_376 = arith.constant 4 : i32
      %div3A_377 = arith.divsi %add3A_368, %jit3A_376 : i32
      %sign3A_378 = arith.constant 0 : i32
      %sign3A_379 = arith.cmpi sgt, %add3A_368, %sign3A_378 : i32
      %sign3A_380 = arith.extui %sign3A_379 : i1 to i32
      %sign3A_381 = arith.constant 0 : i32
      %sign3A_382 = arith.cmpi slt, %add3A_368, %sign3A_381 : i32
      %sign3A_383 = arith.extui %sign3A_382 : i1 to i32
      %sign3A_384 = arith.subi %sign3A_380, %sign3A_383 : i32
      %sign3A_385 = arith.constant 0 : i32
      %sign3A_386 = arith.cmpi sgt, %jit3A_376, %sign3A_385 : i32
      %sign3A_387 = arith.extui %sign3A_386 : i1 to i32
      %sign3A_388 = arith.constant 0 : i32
      %sign3A_389 = arith.cmpi slt, %jit3A_376, %sign3A_388 : i32
      %sign3A_390 = arith.extui %sign3A_389 : i1 to i32
      %sign3A_391 = arith.subi %sign3A_387, %sign3A_390 : i32
      %ne3A_392 = arith.cmpi ne, %sign3A_384, %sign3A_391 : i32
      %rem3A_393 = arith.remsi %add3A_368, %jit3A_376 : i32
      %ne3A_394 = arith.constant 0 : i32
      %ne3A_395 = arith.cmpi ne, %rem3A_393, %ne3A_394 : i32
      %and3A_396 = arith.andi %ne3A_392, %ne3A_395 : i1
      %sub3A_397 = arith.constant 1 : i32
      %sub3A_398 = arith.subi %div3A_377, %sub3A_397 : i32
      %select_n3A_399 = arith.select %and3A_396, %sub3A_398, %div3A_377 : i32
      %jit3A_400 = arith.constant 4 : i32
      %eq3A_401 = arith.constant 0 : i32
      %eq3A_402 = arith.cmpi eq, %jit3A_400, %eq3A_401 : i32
      %jit3A_403 = arith.constant 1 : i32
      %select_n3A_404 = arith.select %eq3A_402, %jit3A_403, %jit3A_400 : i32
      %rem3A_405 = arith.remsi %add3A_368, %select_n3A_404 : i32
      %ne3A_406 = arith.constant 0 : i32
      %ne3A_407 = arith.cmpi ne, %rem3A_405, %ne3A_406 : i32
      %lt3A_408 = arith.constant 0 : i32
      %lt3A_409 = arith.cmpi slt, %rem3A_405, %lt3A_408 : i32
      %lt3A_410 = arith.constant 0 : i32
      %lt3A_411 = arith.cmpi slt, %select_n3A_404, %lt3A_410 : i32
      %ne3A_412 = arith.xori %lt3A_409, %lt3A_411 : i1
      %and3A_413 = arith.andi %ne3A_412, %ne3A_407 : i1
      %add3A_414 = arith.addi %rem3A_405, %select_n3A_404 : i32
      %select_n3A_415 = arith.select %and3A_413, %add3A_414, %rem3A_405 : i32
      %mul3A_416 = arith.constant 128 : i32
      %mul3A_417 = arith.muli %select_n3A_415, %mul3A_416 : i32
      %jit3A_418 = arith.constant 4 : i32
      %div3A_419 = arith.divsi %select_n3A_399, %jit3A_418 : i32
      %sign3A_420 = arith.constant 0 : i32
      %sign3A_421 = arith.cmpi sgt, %select_n3A_399, %sign3A_420 : i32
      %sign3A_422 = arith.extui %sign3A_421 : i1 to i32
      %sign3A_423 = arith.constant 0 : i32
      %sign3A_424 = arith.cmpi slt, %select_n3A_399, %sign3A_423 : i32
      %sign3A_425 = arith.extui %sign3A_424 : i1 to i32
      %sign3A_426 = arith.subi %sign3A_422, %sign3A_425 : i32
      %sign3A_427 = arith.constant 0 : i32
      %sign3A_428 = arith.cmpi sgt, %jit3A_418, %sign3A_427 : i32
      %sign3A_429 = arith.extui %sign3A_428 : i1 to i32
      %sign3A_430 = arith.constant 0 : i32
      %sign3A_431 = arith.cmpi slt, %jit3A_418, %sign3A_430 : i32
      %sign3A_432 = arith.extui %sign3A_431 : i1 to i32
      %sign3A_433 = arith.subi %sign3A_429, %sign3A_432 : i32
      %ne3A_434 = arith.cmpi ne, %sign3A_426, %sign3A_433 : i32
      %rem3A_435 = arith.remsi %select_n3A_399, %jit3A_418 : i32
      %ne3A_436 = arith.constant 0 : i32
      %ne3A_437 = arith.cmpi ne, %rem3A_435, %ne3A_436 : i32
      %and3A_438 = arith.andi %ne3A_434, %ne3A_437 : i1
      %sub3A_439 = arith.constant 1 : i32
      %sub3A_440 = arith.subi %div3A_419, %sub3A_439 : i32
      %select_n3A_441 = arith.select %and3A_438, %sub3A_440, %div3A_419 : i32
      %add3A_442 = arith.addi %mul3A_2, %mul3A_417 : i32
      %jit3A_443 = arith.constant 4 : i32
      %eq3A_444 = arith.constant 0 : i32
      %eq3A_445 = arith.cmpi eq, %jit3A_443, %eq3A_444 : i32
      %jit3A_446 = arith.constant 1 : i32
      %select_n3A_447 = arith.select %eq3A_445, %jit3A_446, %jit3A_443 : i32
      %rem3A_448 = arith.remsi %select_n3A_399, %select_n3A_447 : i32
      %ne3A_449 = arith.constant 0 : i32
      %ne3A_450 = arith.cmpi ne, %rem3A_448, %ne3A_449 : i32
      %lt3A_451 = arith.constant 0 : i32
      %lt3A_452 = arith.cmpi slt, %rem3A_448, %lt3A_451 : i32
      %lt3A_453 = arith.constant 0 : i32
      %lt3A_454 = arith.cmpi slt, %select_n3A_447, %lt3A_453 : i32
      %ne3A_455 = arith.xori %lt3A_452, %lt3A_454 : i1
      %and3A_456 = arith.andi %ne3A_455, %ne3A_450 : i1
      %add3A_457 = arith.addi %rem3A_448, %select_n3A_447 : i32
      %select_n3A_458 = arith.select %and3A_456, %add3A_457, %rem3A_448 : i32
      %mul3A_459 = arith.constant 32 : i32
      %mul3A_460 = arith.muli %select_n3A_458, %mul3A_459 : i32
      %dma_start3A_461 = tpu.memref_slice %arg4[%select_n3A_441, %add3A_442, %mul3A_460] : memref<13x16384x128xf32, #tpu.memory_space<hbm>> -> memref<1x128x32xf32, #tpu.memory_space<hbm>>
      %dma_start3A_462 = tpu.memref_squeeze %dma_start3A_461 : memref<1x128x32xf32, #tpu.memory_space<hbm>> -> memref<128x32xf32, #tpu.memory_space<hbm>>
      %dma_start3A_463 = tpu.memref_slice %arg4[%select_n3A_441, %add3A_442, %mul3A_460] : memref<13x16384x128xf32, #tpu.memory_space<hbm>> -> memref<1x128x32xf32, #tpu.memory_space<hbm>>
      %dma_start3A_464 = tpu.memref_squeeze %dma_start3A_463 : memref<1x128x32xf32, #tpu.memory_space<hbm>> -> memref<128x32xf32, #tpu.memory_space<hbm>>
      tpu.enqueue_dma source(%arg8 : memref<128x32xf32, #tpu.memory_space<vmem>>) target(%dma_start3A_464 : memref<128x32xf32, #tpu.memory_space<hbm>>) target_semaphore(%arg24 : memref<!tpu.dma_semaphore, #tpu.memory_space<semaphore_mem>>)
      %add3A_465 = arith.constant 4 : i32
      %add3A_466 = arith.addi %add3A_368, %add3A_465 : i32
      %ge3A_467 = arith.constant 1 : i32
      %ge3A_468 = arith.cmpi sge, %scan3A_69, %ge3A_467 : i32
      %convert_element_type3A_469 = arith.extui %ge3A_468 : i1 to i32
      %cond3A_470 = arith.constant 0 : i32
      %cond3A_471 = arith.cmpi ne, %convert_element_type3A_469, %cond3A_470 : i32
      scf.if %cond3A_471 {
        %dma_wait3A_1137 = arith.constant 0 : i32
        %dma_wait3A_1138 = arith.constant 0 : i32
        %dma_wait3A_1139 = arith.constant 0 : i32
        %dma_wait3A_1140 = tpu.memref_slice %arg4[%dma_wait3A_1137, %dma_wait3A_1138, %dma_wait3A_1139] : memref<13x16384x128xf32, #tpu.memory_space<hbm>> -> memref<1x128x32xf32, #tpu.memory_space<hbm>>
        %dma_wait3A_1141 = tpu.memref_squeeze %dma_wait3A_1140 : memref<1x128x32xf32, #tpu.memory_space<hbm>> -> memref<128x32xf32, #tpu.memory_space<hbm>>
        %dma_wait3A_1142 = arith.constant 0 : i32
        %dma_wait3A_1143 = arith.constant 0 : i32
        %dma_wait3A_1144 = tpu.memref_slice %arg4[%dma_wait3A_1137, %dma_wait3A_1142, %dma_wait3A_1143] : memref<13x16384x128xf32, #tpu.memory_space<hbm>> -> memref<1x128x32xf32, #tpu.memory_space<hbm>>
        %dma_wait3A_1145 = tpu.memref_squeeze %dma_wait3A_1144 : memref<1x128x32xf32, #tpu.memory_space<hbm>> -> memref<128x32xf32, #tpu.memory_space<hbm>>
        tpu.wait_dma2 semaphore(%arg28 : memref<!tpu.dma_semaphore, #tpu.memory_space<semaphore_mem>>) src(%arg12 : memref<128x32xf32, #tpu.memory_space<vmem>>) dst(%dma_wait3A_1145 : memref<128x32xf32, #tpu.memory_space<hbm>>)
      } else {
      }
      %jit3A_472 = arith.constant 4 : i32
      %div3A_473 = arith.divsi %add3A_466, %jit3A_472 : i32
      %sign3A_474 = arith.constant 0 : i32
      %sign3A_475 = arith.cmpi sgt, %add3A_466, %sign3A_474 : i32
      %sign3A_476 = arith.extui %sign3A_475 : i1 to i32
      %sign3A_477 = arith.constant 0 : i32
      %sign3A_478 = arith.cmpi slt, %add3A_466, %sign3A_477 : i32
      %sign3A_479 = arith.extui %sign3A_478 : i1 to i32
      %sign3A_480 = arith.subi %sign3A_476, %sign3A_479 : i32
      %sign3A_481 = arith.constant 0 : i32
      %sign3A_482 = arith.cmpi sgt, %jit3A_472, %sign3A_481 : i32
      %sign3A_483 = arith.extui %sign3A_482 : i1 to i32
      %sign3A_484 = arith.constant 0 : i32
      %sign3A_485 = arith.cmpi slt, %jit3A_472, %sign3A_484 : i32
      %sign3A_486 = arith.extui %sign3A_485 : i1 to i32
      %sign3A_487 = arith.subi %sign3A_483, %sign3A_486 : i32
      %ne3A_488 = arith.cmpi ne, %sign3A_480, %sign3A_487 : i32
      %rem3A_489 = arith.remsi %add3A_466, %jit3A_472 : i32
      %ne3A_490 = arith.constant 0 : i32
      %ne3A_491 = arith.cmpi ne, %rem3A_489, %ne3A_490 : i32
      %and3A_492 = arith.andi %ne3A_488, %ne3A_491 : i1
      %sub3A_493 = arith.constant 1 : i32
      %sub3A_494 = arith.subi %div3A_473, %sub3A_493 : i32
      %select_n3A_495 = arith.select %and3A_492, %sub3A_494, %div3A_473 : i32
      %jit3A_496 = arith.constant 4 : i32
      %eq3A_497 = arith.constant 0 : i32
      %eq3A_498 = arith.cmpi eq, %jit3A_496, %eq3A_497 : i32
      %jit3A_499 = arith.constant 1 : i32
      %select_n3A_500 = arith.select %eq3A_498, %jit3A_499, %jit3A_496 : i32
      %rem3A_501 = arith.remsi %add3A_466, %select_n3A_500 : i32
      %ne3A_502 = arith.constant 0 : i32
      %ne3A_503 = arith.cmpi ne, %rem3A_501, %ne3A_502 : i32
      %lt3A_504 = arith.constant 0 : i32
      %lt3A_505 = arith.cmpi slt, %rem3A_501, %lt3A_504 : i32
      %lt3A_506 = arith.constant 0 : i32
      %lt3A_507 = arith.cmpi slt, %select_n3A_500, %lt3A_506 : i32
      %ne3A_508 = arith.xori %lt3A_505, %lt3A_507 : i1
      %and3A_509 = arith.andi %ne3A_508, %ne3A_503 : i1
      %add3A_510 = arith.addi %rem3A_501, %select_n3A_500 : i32
      %select_n3A_511 = arith.select %and3A_509, %add3A_510, %rem3A_501 : i32
      %mul3A_512 = arith.constant 128 : i32
      %mul3A_513 = arith.muli %select_n3A_511, %mul3A_512 : i32
      %dma_start3A_514 = tpu.memref_slice %arg5[%select_n3A_495, %mul3A_513] : memref<50x512xi32, #tpu.memory_space<vmem>> -> memref<1x128xi32, #tpu.memory_space<vmem>>
      %dma_start3A_515 = tpu.memref_squeeze %dma_start3A_514 : memref<1x128xi32, #tpu.memory_space<vmem>> -> memref<128xi32, #tpu.memory_space<vmem>>
      %dma_start3A_516 = arith.constant 0 : i32
      %dma_start3A_517 = arith.constant 0 : i32
      %dma_start3A_518 = tpu.memref_slice %arg3[%dma_start3A_516, %dma_start3A_517] : memref<1015808x32xf32, #tpu.memory_space<hbm>> -> memref<1015808x32xf32, #tpu.memory_space<hbm>>
      tpu.enqueue_indirect_dma source(%dma_start3A_518 : memref<1015808x32xf32, #tpu.memory_space<hbm>>) target(%arg12 : memref<128x32xf32, #tpu.memory_space<vmem>>) offsets(%dma_start3A_515 : memref<128xi32, #tpu.memory_space<vmem>>) semaphore(%arg20 : memref<!tpu.dma_semaphore, #tpu.memory_space<semaphore_mem>>)
      %mul3A_519 = arith.constant 8 : i32
      %mul3A_520 = arith.muli %scan3A_69, %mul3A_519 : i32
      %add3A_521 = arith.constant 3 : i32
      %add3A_522 = arith.addi %mul3A_520, %add3A_521 : i32
      %dma_wait3A_523 = arith.constant 0 : i32
      %dma_wait3A_524 = arith.constant 0 : i32
      %dma_wait3A_525 = tpu.memref_slice %arg5[%dma_wait3A_523, %dma_wait3A_524] : memref<50x512xi32, #tpu.memory_space<vmem>> -> memref<1x128xi32, #tpu.memory_space<vmem>>
      %dma_wait3A_526 = tpu.memref_squeeze %dma_wait3A_525 : memref<1x128xi32, #tpu.memory_space<vmem>> -> memref<128xi32, #tpu.memory_space<vmem>>
      %dma_wait3A_527 = arith.constant 0 : i32
      %dma_wait3A_528 = arith.constant 0 : i32
      %dma_wait3A_529 = tpu.memref_slice %arg3[%dma_wait3A_527, %dma_wait3A_528] : memref<1015808x32xf32, #tpu.memory_space<hbm>> -> memref<1015808x32xf32, #tpu.memory_space<hbm>>
      tpu.wait_indirect_dma semaphore(%arg17 : memref<!tpu.dma_semaphore, #tpu.memory_space<semaphore_mem>>) src(%dma_wait3A_529 : memref<1015808x32xf32, #tpu.memory_space<hbm>>) dst(%arg9 : memref<128x32xf32, #tpu.memory_space<vmem>>)
      %jit3A_530 = arith.constant 4 : i32
      %div3A_531 = arith.divsi %add3A_522, %jit3A_530 : i32
      %sign3A_532 = arith.constant 0 : i32
      %sign3A_533 = arith.cmpi sgt, %add3A_522, %sign3A_532 : i32
      %sign3A_534 = arith.extui %sign3A_533 : i1 to i32
      %sign3A_535 = arith.constant 0 : i32
      %sign3A_536 = arith.cmpi slt, %add3A_522, %sign3A_535 : i32
      %sign3A_537 = arith.extui %sign3A_536 : i1 to i32
      %sign3A_538 = arith.subi %sign3A_534, %sign3A_537 : i32
      %sign3A_539 = arith.constant 0 : i32
      %sign3A_540 = arith.cmpi sgt, %jit3A_530, %sign3A_539 : i32
      %sign3A_541 = arith.extui %sign3A_540 : i1 to i32
      %sign3A_542 = arith.constant 0 : i32
      %sign3A_543 = arith.cmpi slt, %jit3A_530, %sign3A_542 : i32
      %sign3A_544 = arith.extui %sign3A_543 : i1 to i32
      %sign3A_545 = arith.subi %sign3A_541, %sign3A_544 : i32
      %ne3A_546 = arith.cmpi ne, %sign3A_538, %sign3A_545 : i32
      %rem3A_547 = arith.remsi %add3A_522, %jit3A_530 : i32
      %ne3A_548 = arith.constant 0 : i32
      %ne3A_549 = arith.cmpi ne, %rem3A_547, %ne3A_548 : i32
      %and3A_550 = arith.andi %ne3A_546, %ne3A_549 : i1
      %sub3A_551 = arith.constant 1 : i32
      %sub3A_552 = arith.subi %div3A_531, %sub3A_551 : i32
      %select_n3A_553 = arith.select %and3A_550, %sub3A_552, %div3A_531 : i32
      %jit3A_554 = arith.constant 4 : i32
      %eq3A_555 = arith.constant 0 : i32
      %eq3A_556 = arith.cmpi eq, %jit3A_554, %eq3A_555 : i32
      %jit3A_557 = arith.constant 1 : i32
      %select_n3A_558 = arith.select %eq3A_556, %jit3A_557, %jit3A_554 : i32
      %rem3A_559 = arith.remsi %add3A_522, %select_n3A_558 : i32
      %ne3A_560 = arith.constant 0 : i32
      %ne3A_561 = arith.cmpi ne, %rem3A_559, %ne3A_560 : i32
      %lt3A_562 = arith.constant 0 : i32
      %lt3A_563 = arith.cmpi slt, %rem3A_559, %lt3A_562 : i32
      %lt3A_564 = arith.constant 0 : i32
      %lt3A_565 = arith.cmpi slt, %select_n3A_558, %lt3A_564 : i32
      %ne3A_566 = arith.xori %lt3A_563, %lt3A_565 : i1
      %and3A_567 = arith.andi %ne3A_566, %ne3A_561 : i1
      %add3A_568 = arith.addi %rem3A_559, %select_n3A_558 : i32
      %select_n3A_569 = arith.select %and3A_567, %add3A_568, %rem3A_559 : i32
      %mul3A_570 = arith.constant 128 : i32
      %mul3A_571 = arith.muli %select_n3A_569, %mul3A_570 : i32
      %jit3A_572 = arith.constant 4 : i32
      %div3A_573 = arith.divsi %select_n3A_553, %jit3A_572 : i32
      %sign3A_574 = arith.constant 0 : i32
      %sign3A_575 = arith.cmpi sgt, %select_n3A_553, %sign3A_574 : i32
      %sign3A_576 = arith.extui %sign3A_575 : i1 to i32
      %sign3A_577 = arith.constant 0 : i32
      %sign3A_578 = arith.cmpi slt, %select_n3A_553, %sign3A_577 : i32
      %sign3A_579 = arith.extui %sign3A_578 : i1 to i32
      %sign3A_580 = arith.subi %sign3A_576, %sign3A_579 : i32
      %sign3A_581 = arith.constant 0 : i32
      %sign3A_582 = arith.cmpi sgt, %jit3A_572, %sign3A_581 : i32
      %sign3A_583 = arith.extui %sign3A_582 : i1 to i32
      %sign3A_584 = arith.constant 0 : i32
      %sign3A_585 = arith.cmpi slt, %jit3A_572, %sign3A_584 : i32
      %sign3A_586 = arith.extui %sign3A_585 : i1 to i32
      %sign3A_587 = arith.subi %sign3A_583, %sign3A_586 : i32
      %ne3A_588 = arith.cmpi ne, %sign3A_580, %sign3A_587 : i32
      %rem3A_589 = arith.remsi %select_n3A_553, %jit3A_572 : i32
      %ne3A_590 = arith.constant 0 : i32
      %ne3A_591 = arith.cmpi ne, %rem3A_589, %ne3A_590 : i32
      %and3A_592 = arith.andi %ne3A_588, %ne3A_591 : i1
      %sub3A_593 = arith.constant 1 : i32
      %sub3A_594 = arith.subi %div3A_573, %sub3A_593 : i32
      %select_n3A_595 = arith.select %and3A_592, %sub3A_594, %div3A_573 : i32
      %add3A_596 = arith.addi %mul3A_2, %mul3A_571 : i32
      %jit3A_597 = arith.constant 4 : i32
      %eq3A_598 = arith.constant 0 : i32
      %eq3A_599 = arith.cmpi eq, %jit3A_597, %eq3A_598 : i32
      %jit3A_600 = arith.constant 1 : i32
      %select_n3A_601 = arith.select %eq3A_599, %jit3A_600, %jit3A_597 : i32
      %rem3A_602 = arith.remsi %select_n3A_553, %select_n3A_601 : i32
      %ne3A_603 = arith.constant 0 : i32
      %ne3A_604 = arith.cmpi ne, %rem3A_602, %ne3A_603 : i32
      %lt3A_605 = arith.constant 0 : i32
      %lt3A_606 = arith.cmpi slt, %rem3A_602, %lt3A_605 : i32
      %lt3A_607 = arith.constant 0 : i32
      %lt3A_608 = arith.cmpi slt, %select_n3A_601, %lt3A_607 : i32
      %ne3A_609 = arith.xori %lt3A_606, %lt3A_608 : i1
      %and3A_610 = arith.andi %ne3A_609, %ne3A_604 : i1
      %add3A_611 = arith.addi %rem3A_602, %select_n3A_601 : i32
      %select_n3A_612 = arith.select %and3A_610, %add3A_611, %rem3A_602 : i32
      %mul3A_613 = arith.constant 32 : i32
      %mul3A_614 = arith.muli %select_n3A_612, %mul3A_613 : i32
      %dma_start3A_615 = tpu.memref_slice %arg4[%select_n3A_595, %add3A_596, %mul3A_614] : memref<13x16384x128xf32, #tpu.memory_space<hbm>> -> memref<1x128x32xf32, #tpu.memory_space<hbm>>
      %dma_start3A_616 = tpu.memref_squeeze %dma_start3A_615 : memref<1x128x32xf32, #tpu.memory_space<hbm>> -> memref<128x32xf32, #tpu.memory_space<hbm>>
      %dma_start3A_617 = tpu.memref_slice %arg4[%select_n3A_595, %add3A_596, %mul3A_614] : memref<13x16384x128xf32, #tpu.memory_space<hbm>> -> memref<1x128x32xf32, #tpu.memory_space<hbm>>
      %dma_start3A_618 = tpu.memref_squeeze %dma_start3A_617 : memref<1x128x32xf32, #tpu.memory_space<hbm>> -> memref<128x32xf32, #tpu.memory_space<hbm>>
      tpu.enqueue_dma source(%arg9 : memref<128x32xf32, #tpu.memory_space<vmem>>) target(%dma_start3A_618 : memref<128x32xf32, #tpu.memory_space<hbm>>) target_semaphore(%arg25 : memref<!tpu.dma_semaphore, #tpu.memory_space<semaphore_mem>>)
      %add3A_619 = arith.constant 4 : i32
      %add3A_620 = arith.addi %add3A_522, %add3A_619 : i32
      %ge3A_621 = arith.constant 1 : i32
      %ge3A_622 = arith.cmpi sge, %scan3A_69, %ge3A_621 : i32
      %convert_element_type3A_623 = arith.extui %ge3A_622 : i1 to i32
      %cond3A_624 = arith.constant 0 : i32
      %cond3A_625 = arith.cmpi ne, %convert_element_type3A_623, %cond3A_624 : i32
      scf.if %cond3A_625 {
        %dma_wait3A_1137 = arith.constant 0 : i32
        %dma_wait3A_1138 = arith.constant 0 : i32
        %dma_wait3A_1139 = arith.constant 0 : i32
        %dma_wait3A_1140 = tpu.memref_slice %arg4[%dma_wait3A_1137, %dma_wait3A_1138, %dma_wait3A_1139] : memref<13x16384x128xf32, #tpu.memory_space<hbm>> -> memref<1x128x32xf32, #tpu.memory_space<hbm>>
        %dma_wait3A_1141 = tpu.memref_squeeze %dma_wait3A_1140 : memref<1x128x32xf32, #tpu.memory_space<hbm>> -> memref<128x32xf32, #tpu.memory_space<hbm>>
        %dma_wait3A_1142 = arith.constant 0 : i32
        %dma_wait3A_1143 = arith.constant 0 : i32
        %dma_wait3A_1144 = tpu.memref_slice %arg4[%dma_wait3A_1137, %dma_wait3A_1142, %dma_wait3A_1143] : memref<13x16384x128xf32, #tpu.memory_space<hbm>> -> memref<1x128x32xf32, #tpu.memory_space<hbm>>
        %dma_wait3A_1145 = tpu.memref_squeeze %dma_wait3A_1144 : memref<1x128x32xf32, #tpu.memory_space<hbm>> -> memref<128x32xf32, #tpu.memory_space<hbm>>
        tpu.wait_dma2 semaphore(%arg29 : memref<!tpu.dma_semaphore, #tpu.memory_space<semaphore_mem>>) src(%arg13 : memref<128x32xf32, #tpu.memory_space<vmem>>) dst(%dma_wait3A_1145 : memref<128x32xf32, #tpu.memory_space<hbm>>)
      } else {
      }
      %jit3A_626 = arith.constant 4 : i32
      %div3A_627 = arith.divsi %add3A_620, %jit3A_626 : i32
      %sign3A_628 = arith.constant 0 : i32
      %sign3A_629 = arith.cmpi sgt, %add3A_620, %sign3A_628 : i32
      %sign3A_630 = arith.extui %sign3A_629 : i1 to i32
      %sign3A_631 = arith.constant 0 : i32
      %sign3A_632 = arith.cmpi slt, %add3A_620, %sign3A_631 : i32
      %sign3A_633 = arith.extui %sign3A_632 : i1 to i32
      %sign3A_634 = arith.subi %sign3A_630, %sign3A_633 : i32
      %sign3A_635 = arith.constant 0 : i32
      %sign3A_636 = arith.cmpi sgt, %jit3A_626, %sign3A_635 : i32
      %sign3A_637 = arith.extui %sign3A_636 : i1 to i32
      %sign3A_638 = arith.constant 0 : i32
      %sign3A_639 = arith.cmpi slt, %jit3A_626, %sign3A_638 : i32
      %sign3A_640 = arith.extui %sign3A_639 : i1 to i32
      %sign3A_641 = arith.subi %sign3A_637, %sign3A_640 : i32
      %ne3A_642 = arith.cmpi ne, %sign3A_634, %sign3A_641 : i32
      %rem3A_643 = arith.remsi %add3A_620, %jit3A_626 : i32
      %ne3A_644 = arith.constant 0 : i32
      %ne3A_645 = arith.cmpi ne, %rem3A_643, %ne3A_644 : i32
      %and3A_646 = arith.andi %ne3A_642, %ne3A_645 : i1
      %sub3A_647 = arith.constant 1 : i32
      %sub3A_648 = arith.subi %div3A_627, %sub3A_647 : i32
      %select_n3A_649 = arith.select %and3A_646, %sub3A_648, %div3A_627 : i32
      %jit3A_650 = arith.constant 4 : i32
      %eq3A_651 = arith.constant 0 : i32
      %eq3A_652 = arith.cmpi eq, %jit3A_650, %eq3A_651 : i32
      %jit3A_653 = arith.constant 1 : i32
      %select_n3A_654 = arith.select %eq3A_652, %jit3A_653, %jit3A_650 : i32
      %rem3A_655 = arith.remsi %add3A_620, %select_n3A_654 : i32
      %ne3A_656 = arith.constant 0 : i32
      %ne3A_657 = arith.cmpi ne, %rem3A_655, %ne3A_656 : i32
      %lt3A_658 = arith.constant 0 : i32
      %lt3A_659 = arith.cmpi slt, %rem3A_655, %lt3A_658 : i32
      %lt3A_660 = arith.constant 0 : i32
      %lt3A_661 = arith.cmpi slt, %select_n3A_654, %lt3A_660 : i32
      %ne3A_662 = arith.xori %lt3A_659, %lt3A_661 : i1
      %and3A_663 = arith.andi %ne3A_662, %ne3A_657 : i1
      %add3A_664 = arith.addi %rem3A_655, %select_n3A_654 : i32
      %select_n3A_665 = arith.select %and3A_663, %add3A_664, %rem3A_655 : i32
      %mul3A_666 = arith.constant 128 : i32
      %mul3A_667 = arith.muli %select_n3A_665, %mul3A_666 : i32
      %dma_start3A_668 = tpu.memref_slice %arg5[%select_n3A_649, %mul3A_667] : memref<50x512xi32, #tpu.memory_space<vmem>> -> memref<1x128xi32, #tpu.memory_space<vmem>>
      %dma_start3A_669 = tpu.memref_squeeze %dma_start3A_668 : memref<1x128xi32, #tpu.memory_space<vmem>> -> memref<128xi32, #tpu.memory_space<vmem>>
      %dma_start3A_670 = arith.constant 0 : i32
      %dma_start3A_671 = arith.constant 0 : i32
      %dma_start3A_672 = tpu.memref_slice %arg3[%dma_start3A_670, %dma_start3A_671] : memref<1015808x32xf32, #tpu.memory_space<hbm>> -> memref<1015808x32xf32, #tpu.memory_space<hbm>>
      tpu.enqueue_indirect_dma source(%dma_start3A_672 : memref<1015808x32xf32, #tpu.memory_space<hbm>>) target(%arg13 : memref<128x32xf32, #tpu.memory_space<vmem>>) offsets(%dma_start3A_669 : memref<128xi32, #tpu.memory_space<vmem>>) semaphore(%arg21 : memref<!tpu.dma_semaphore, #tpu.memory_space<semaphore_mem>>)
      %mul3A_673 = arith.constant 8 : i32
      %mul3A_674 = arith.muli %scan3A_69, %mul3A_673 : i32
      %add3A_675 = arith.constant 4 : i32
      %add3A_676 = arith.addi %mul3A_674, %add3A_675 : i32
      %dma_wait3A_677 = arith.constant 0 : i32
      %dma_wait3A_678 = arith.constant 0 : i32
      %dma_wait3A_679 = tpu.memref_slice %arg5[%dma_wait3A_677, %dma_wait3A_678] : memref<50x512xi32, #tpu.memory_space<vmem>> -> memref<1x128xi32, #tpu.memory_space<vmem>>
      %dma_wait3A_680 = tpu.memref_squeeze %dma_wait3A_679 : memref<1x128xi32, #tpu.memory_space<vmem>> -> memref<128xi32, #tpu.memory_space<vmem>>
      %dma_wait3A_681 = arith.constant 0 : i32
      %dma_wait3A_682 = arith.constant 0 : i32
      %dma_wait3A_683 = tpu.memref_slice %arg3[%dma_wait3A_681, %dma_wait3A_682] : memref<1015808x32xf32, #tpu.memory_space<hbm>> -> memref<1015808x32xf32, #tpu.memory_space<hbm>>
      tpu.wait_indirect_dma semaphore(%arg18 : memref<!tpu.dma_semaphore, #tpu.memory_space<semaphore_mem>>) src(%dma_wait3A_683 : memref<1015808x32xf32, #tpu.memory_space<hbm>>) dst(%arg10 : memref<128x32xf32, #tpu.memory_space<vmem>>)
      %jit3A_684 = arith.constant 4 : i32
      %div3A_685 = arith.divsi %add3A_676, %jit3A_684 : i32
      %sign3A_686 = arith.constant 0 : i32
      %sign3A_687 = arith.cmpi sgt, %add3A_676, %sign3A_686 : i32
      %sign3A_688 = arith.extui %sign3A_687 : i1 to i32
      %sign3A_689 = arith.constant 0 : i32
      %sign3A_690 = arith.cmpi slt, %add3A_676, %sign3A_689 : i32
      %sign3A_691 = arith.extui %sign3A_690 : i1 to i32
      %sign3A_692 = arith.subi %sign3A_688, %sign3A_691 : i32
      %sign3A_693 = arith.constant 0 : i32
      %sign3A_694 = arith.cmpi sgt, %jit3A_684, %sign3A_693 : i32
      %sign3A_695 = arith.extui %sign3A_694 : i1 to i32
      %sign3A_696 = arith.constant 0 : i32
      %sign3A_697 = arith.cmpi slt, %jit3A_684, %sign3A_696 : i32
      %sign3A_698 = arith.extui %sign3A_697 : i1 to i32
      %sign3A_699 = arith.subi %sign3A_695, %sign3A_698 : i32
      %ne3A_700 = arith.cmpi ne, %sign3A_692, %sign3A_699 : i32
      %rem3A_701 = arith.remsi %add3A_676, %jit3A_684 : i32
      %ne3A_702 = arith.constant 0 : i32
      %ne3A_703 = arith.cmpi ne, %rem3A_701, %ne3A_702 : i32
      %and3A_704 = arith.andi %ne3A_700, %ne3A_703 : i1
      %sub3A_705 = arith.constant 1 : i32
      %sub3A_706 = arith.subi %div3A_685, %sub3A_705 : i32
      %select_n3A_707 = arith.select %and3A_704, %sub3A_706, %div3A_685 : i32
      %jit3A_708 = arith.constant 4 : i32
      %eq3A_709 = arith.constant 0 : i32
      %eq3A_710 = arith.cmpi eq, %jit3A_708, %eq3A_709 : i32
      %jit3A_711 = arith.constant 1 : i32
      %select_n3A_712 = arith.select %eq3A_710, %jit3A_711, %jit3A_708 : i32
      %rem3A_713 = arith.remsi %add3A_676, %select_n3A_712 : i32
      %ne3A_714 = arith.constant 0 : i32
      %ne3A_715 = arith.cmpi ne, %rem3A_713, %ne3A_714 : i32
      %lt3A_716 = arith.constant 0 : i32
      %lt3A_717 = arith.cmpi slt, %rem3A_713, %lt3A_716 : i32
      %lt3A_718 = arith.constant 0 : i32
      %lt3A_719 = arith.cmpi slt, %select_n3A_712, %lt3A_718 : i32
      %ne3A_720 = arith.xori %lt3A_717, %lt3A_719 : i1
      %and3A_721 = arith.andi %ne3A_720, %ne3A_715 : i1
      %add3A_722 = arith.addi %rem3A_713, %select_n3A_712 : i32
      %select_n3A_723 = arith.select %and3A_721, %add3A_722, %rem3A_713 : i32
      %mul3A_724 = arith.constant 128 : i32
      %mul3A_725 = arith.muli %select_n3A_723, %mul3A_724 : i32
      %jit3A_726 = arith.constant 4 : i32
      %div3A_727 = arith.divsi %select_n3A_707, %jit3A_726 : i32
      %sign3A_728 = arith.constant 0 : i32
      %sign3A_729 = arith.cmpi sgt, %select_n3A_707, %sign3A_728 : i32
      %sign3A_730 = arith.extui %sign3A_729 : i1 to i32
      %sign3A_731 = arith.constant 0 : i32
      %sign3A_732 = arith.cmpi slt, %select_n3A_707, %sign3A_731 : i32
      %sign3A_733 = arith.extui %sign3A_732 : i1 to i32
      %sign3A_734 = arith.subi %sign3A_730, %sign3A_733 : i32
      %sign3A_735 = arith.constant 0 : i32
      %sign3A_736 = arith.cmpi sgt, %jit3A_726, %sign3A_735 : i32
      %sign3A_737 = arith.extui %sign3A_736 : i1 to i32
      %sign3A_738 = arith.constant 0 : i32
      %sign3A_739 = arith.cmpi slt, %jit3A_726, %sign3A_738 : i32
      %sign3A_740 = arith.extui %sign3A_739 : i1 to i32
      %sign3A_741 = arith.subi %sign3A_737, %sign3A_740 : i32
      %ne3A_742 = arith.cmpi ne, %sign3A_734, %sign3A_741 : i32
      %rem3A_743 = arith.remsi %select_n3A_707, %jit3A_726 : i32
      %ne3A_744 = arith.constant 0 : i32
      %ne3A_745 = arith.cmpi ne, %rem3A_743, %ne3A_744 : i32
      %and3A_746 = arith.andi %ne3A_742, %ne3A_745 : i1
      %sub3A_747 = arith.constant 1 : i32
      %sub3A_748 = arith.subi %div3A_727, %sub3A_747 : i32
      %select_n3A_749 = arith.select %and3A_746, %sub3A_748, %div3A_727 : i32
      %add3A_750 = arith.addi %mul3A_2, %mul3A_725 : i32
      %jit3A_751 = arith.constant 4 : i32
      %eq3A_752 = arith.constant 0 : i32
      %eq3A_753 = arith.cmpi eq, %jit3A_751, %eq3A_752 : i32
      %jit3A_754 = arith.constant 1 : i32
      %select_n3A_755 = arith.select %eq3A_753, %jit3A_754, %jit3A_751 : i32
      %rem3A_756 = arith.remsi %select_n3A_707, %select_n3A_755 : i32
      %ne3A_757 = arith.constant 0 : i32
      %ne3A_758 = arith.cmpi ne, %rem3A_756, %ne3A_757 : i32
      %lt3A_759 = arith.constant 0 : i32
      %lt3A_760 = arith.cmpi slt, %rem3A_756, %lt3A_759 : i32
      %lt3A_761 = arith.constant 0 : i32
      %lt3A_762 = arith.cmpi slt, %select_n3A_755, %lt3A_761 : i32
      %ne3A_763 = arith.xori %lt3A_760, %lt3A_762 : i1
      %and3A_764 = arith.andi %ne3A_763, %ne3A_758 : i1
      %add3A_765 = arith.addi %rem3A_756, %select_n3A_755 : i32
      %select_n3A_766 = arith.select %and3A_764, %add3A_765, %rem3A_756 : i32
      %mul3A_767 = arith.constant 32 : i32
      %mul3A_768 = arith.muli %select_n3A_766, %mul3A_767 : i32
      %dma_start3A_769 = tpu.memref_slice %arg4[%select_n3A_749, %add3A_750, %mul3A_768] : memref<13x16384x128xf32, #tpu.memory_space<hbm>> -> memref<1x128x32xf32, #tpu.memory_space<hbm>>
      %dma_start3A_770 = tpu.memref_squeeze %dma_start3A_769 : memref<1x128x32xf32, #tpu.memory_space<hbm>> -> memref<128x32xf32, #tpu.memory_space<hbm>>
      %dma_start3A_771 = tpu.memref_slice %arg4[%select_n3A_749, %add3A_750, %mul3A_768] : memref<13x16384x128xf32, #tpu.memory_space<hbm>> -> memref<1x128x32xf32, #tpu.memory_space<hbm>>
      %dma_start3A_772 = tpu.memref_squeeze %dma_start3A_771 : memref<1x128x32xf32, #tpu.memory_space<hbm>> -> memref<128x32xf32, #tpu.memory_space<hbm>>
      tpu.enqueue_dma source(%arg10 : memref<128x32xf32, #tpu.memory_space<vmem>>) target(%dma_start3A_772 : memref<128x32xf32, #tpu.memory_space<hbm>>) target_semaphore(%arg26 : memref<!tpu.dma_semaphore, #tpu.memory_space<semaphore_mem>>)
      %add3A_773 = arith.constant 4 : i32
      %add3A_774 = arith.addi %add3A_676, %add3A_773 : i32
      %dma_wait3A_775 = arith.constant 0 : i32
      %dma_wait3A_776 = arith.constant 0 : i32
      %dma_wait3A_777 = arith.constant 0 : i32
      %dma_wait3A_778 = tpu.memref_slice %arg4[%dma_wait3A_775, %dma_wait3A_776, %dma_wait3A_777] : memref<13x16384x128xf32, #tpu.memory_space<hbm>> -> memref<1x128x32xf32, #tpu.memory_space<hbm>>
      %dma_wait3A_779 = tpu.memref_squeeze %dma_wait3A_778 : memref<1x128x32xf32, #tpu.memory_space<hbm>> -> memref<128x32xf32, #tpu.memory_space<hbm>>
      %dma_wait3A_780 = arith.constant 0 : i32
      %dma_wait3A_781 = arith.constant 0 : i32
      %dma_wait3A_782 = tpu.memref_slice %arg4[%dma_wait3A_775, %dma_wait3A_780, %dma_wait3A_781] : memref<13x16384x128xf32, #tpu.memory_space<hbm>> -> memref<1x128x32xf32, #tpu.memory_space<hbm>>
      %dma_wait3A_783 = tpu.memref_squeeze %dma_wait3A_782 : memref<1x128x32xf32, #tpu.memory_space<hbm>> -> memref<128x32xf32, #tpu.memory_space<hbm>>
      tpu.wait_dma2 semaphore(%arg22 : memref<!tpu.dma_semaphore, #tpu.memory_space<semaphore_mem>>) src(%arg6 : memref<128x32xf32, #tpu.memory_space<vmem>>) dst(%dma_wait3A_783 : memref<128x32xf32, #tpu.memory_space<hbm>>)
      %lt3A_784 = arith.constant 24 : i32
      %lt3A_785 = arith.cmpi slt, %scan3A_69, %lt3A_784 : i32
      %convert_element_type3A_786 = arith.extui %lt3A_785 : i1 to i32
      %cond3A_787 = arith.constant 0 : i32
      %cond3A_788 = arith.cmpi ne, %convert_element_type3A_786, %cond3A_787 : i32
      scf.if %cond3A_788 {
        %jit3A_1137 = arith.constant 4 : i32
        %div3A_1138 = arith.divsi %add3A_774, %jit3A_1137 : i32
        %sign3A_1139 = arith.constant 0 : i32
        %sign3A_1140 = arith.cmpi sgt, %add3A_774, %sign3A_1139 : i32
        %sign3A_1141 = arith.extui %sign3A_1140 : i1 to i32
        %sign3A_1142 = arith.constant 0 : i32
        %sign3A_1143 = arith.cmpi slt, %add3A_774, %sign3A_1142 : i32
        %sign3A_1144 = arith.extui %sign3A_1143 : i1 to i32
        %sign3A_1145 = arith.subi %sign3A_1141, %sign3A_1144 : i32
        %sign3A_1146 = arith.constant 0 : i32
        %sign3A_1147 = arith.cmpi sgt, %jit3A_1137, %sign3A_1146 : i32
        %sign3A_1148 = arith.extui %sign3A_1147 : i1 to i32
        %sign3A_1149 = arith.constant 0 : i32
        %sign3A_1150 = arith.cmpi slt, %jit3A_1137, %sign3A_1149 : i32
        %sign3A_1151 = arith.extui %sign3A_1150 : i1 to i32
        %sign3A_1152 = arith.subi %sign3A_1148, %sign3A_1151 : i32
        %ne3A_1153 = arith.cmpi ne, %sign3A_1145, %sign3A_1152 : i32
        %rem3A_1154 = arith.remsi %add3A_774, %jit3A_1137 : i32
        %ne3A_1155 = arith.constant 0 : i32
        %ne3A_1156 = arith.cmpi ne, %rem3A_1154, %ne3A_1155 : i32
        %and3A_1157 = arith.andi %ne3A_1153, %ne3A_1156 : i1
        %sub3A_1158 = arith.constant 1 : i32
        %sub3A_1159 = arith.subi %div3A_1138, %sub3A_1158 : i32
        %select_n3A_1160 = arith.select %and3A_1157, %sub3A_1159, %div3A_1138 : i32
        %jit3A_1161 = arith.constant 4 : i32
        %eq3A_1162 = arith.constant 0 : i32
        %eq3A_1163 = arith.cmpi eq, %jit3A_1161, %eq3A_1162 : i32
        %jit3A_1164 = arith.constant 1 : i32
        %select_n3A_1165 = arith.select %eq3A_1163, %jit3A_1164, %jit3A_1161 : i32
        %rem3A_1166 = arith.remsi %add3A_774, %select_n3A_1165 : i32
        %ne3A_1167 = arith.constant 0 : i32
        %ne3A_1168 = arith.cmpi ne, %rem3A_1166, %ne3A_1167 : i32
        %lt3A_1169 = arith.constant 0 : i32
        %lt3A_1170 = arith.cmpi slt, %rem3A_1166, %lt3A_1169 : i32
        %lt3A_1171 = arith.constant 0 : i32
        %lt3A_1172 = arith.cmpi slt, %select_n3A_1165, %lt3A_1171 : i32
        %ne3A_1173 = arith.xori %lt3A_1170, %lt3A_1172 : i1
        %and3A_1174 = arith.andi %ne3A_1173, %ne3A_1168 : i1
        %add3A_1175 = arith.addi %rem3A_1166, %select_n3A_1165 : i32
        %select_n3A_1176 = arith.select %and3A_1174, %add3A_1175, %rem3A_1166 : i32
        %mul3A_1177 = arith.constant 128 : i32
        %mul3A_1178 = arith.muli %select_n3A_1176, %mul3A_1177 : i32
        %dma_start3A_1179 = tpu.memref_slice %arg5[%select_n3A_1160, %mul3A_1178] : memref<50x512xi32, #tpu.memory_space<vmem>> -> memref<1x128xi32, #tpu.memory_space<vmem>>
        %dma_start3A_1180 = tpu.memref_squeeze %dma_start3A_1179 : memref<1x128xi32, #tpu.memory_space<vmem>> -> memref<128xi32, #tpu.memory_space<vmem>>
        %dma_start3A_1181 = arith.constant 0 : i32
        %dma_start3A_1182 = arith.constant 0 : i32
        %dma_start3A_1183 = tpu.memref_slice %arg3[%dma_start3A_1181, %dma_start3A_1182] : memref<1015808x32xf32, #tpu.memory_space<hbm>> -> memref<1015808x32xf32, #tpu.memory_space<hbm>>
        tpu.enqueue_indirect_dma source(%dma_start3A_1183 : memref<1015808x32xf32, #tpu.memory_space<hbm>>) target(%arg6 : memref<128x32xf32, #tpu.memory_space<vmem>>) offsets(%dma_start3A_1180 : memref<128xi32, #tpu.memory_space<vmem>>) semaphore(%arg14 : memref<!tpu.dma_semaphore, #tpu.memory_space<semaphore_mem>>)
      } else {
      }
      %mul3A_789 = arith.constant 8 : i32
      %mul3A_790 = arith.muli %scan3A_69, %mul3A_789 : i32
      %add3A_791 = arith.constant 5 : i32
      %add3A_792 = arith.addi %mul3A_790, %add3A_791 : i32
      %dma_wait3A_793 = arith.constant 0 : i32
      %dma_wait3A_794 = arith.constant 0 : i32
      %dma_wait3A_795 = tpu.memref_slice %arg5[%dma_wait3A_793, %dma_wait3A_794] : memref<50x512xi32, #tpu.memory_space<vmem>> -> memref<1x128xi32, #tpu.memory_space<vmem>>
      %dma_wait3A_796 = tpu.memref_squeeze %dma_wait3A_795 : memref<1x128xi32, #tpu.memory_space<vmem>> -> memref<128xi32, #tpu.memory_space<vmem>>
      %dma_wait3A_797 = arith.constant 0 : i32
      %dma_wait3A_798 = arith.constant 0 : i32
      %dma_wait3A_799 = tpu.memref_slice %arg3[%dma_wait3A_797, %dma_wait3A_798] : memref<1015808x32xf32, #tpu.memory_space<hbm>> -> memref<1015808x32xf32, #tpu.memory_space<hbm>>
      tpu.wait_indirect_dma semaphore(%arg19 : memref<!tpu.dma_semaphore, #tpu.memory_space<semaphore_mem>>) src(%dma_wait3A_799 : memref<1015808x32xf32, #tpu.memory_space<hbm>>) dst(%arg11 : memref<128x32xf32, #tpu.memory_space<vmem>>)
      %jit3A_800 = arith.constant 4 : i32
      %div3A_801 = arith.divsi %add3A_792, %jit3A_800 : i32
      %sign3A_802 = arith.constant 0 : i32
      %sign3A_803 = arith.cmpi sgt, %add3A_792, %sign3A_802 : i32
      %sign3A_804 = arith.extui %sign3A_803 : i1 to i32
      %sign3A_805 = arith.constant 0 : i32
      %sign3A_806 = arith.cmpi slt, %add3A_792, %sign3A_805 : i32
      %sign3A_807 = arith.extui %sign3A_806 : i1 to i32
      %sign3A_808 = arith.subi %sign3A_804, %sign3A_807 : i32
      %sign3A_809 = arith.constant 0 : i32
      %sign3A_810 = arith.cmpi sgt, %jit3A_800, %sign3A_809 : i32
      %sign3A_811 = arith.extui %sign3A_810 : i1 to i32
      %sign3A_812 = arith.constant 0 : i32
      %sign3A_813 = arith.cmpi slt, %jit3A_800, %sign3A_812 : i32
      %sign3A_814 = arith.extui %sign3A_813 : i1 to i32
      %sign3A_815 = arith.subi %sign3A_811, %sign3A_814 : i32
      %ne3A_816 = arith.cmpi ne, %sign3A_808, %sign3A_815 : i32
      %rem3A_817 = arith.remsi %add3A_792, %jit3A_800 : i32
      %ne3A_818 = arith.constant 0 : i32
      %ne3A_819 = arith.cmpi ne, %rem3A_817, %ne3A_818 : i32
      %and3A_820 = arith.andi %ne3A_816, %ne3A_819 : i1
      %sub3A_821 = arith.constant 1 : i32
      %sub3A_822 = arith.subi %div3A_801, %sub3A_821 : i32
      %select_n3A_823 = arith.select %and3A_820, %sub3A_822, %div3A_801 : i32
      %jit3A_824 = arith.constant 4 : i32
      %eq3A_825 = arith.constant 0 : i32
      %eq3A_826 = arith.cmpi eq, %jit3A_824, %eq3A_825 : i32
      %jit3A_827 = arith.constant 1 : i32
      %select_n3A_828 = arith.select %eq3A_826, %jit3A_827, %jit3A_824 : i32
      %rem3A_829 = arith.remsi %add3A_792, %select_n3A_828 : i32
      %ne3A_830 = arith.constant 0 : i32
      %ne3A_831 = arith.cmpi ne, %rem3A_829, %ne3A_830 : i32
      %lt3A_832 = arith.constant 0 : i32
      %lt3A_833 = arith.cmpi slt, %rem3A_829, %lt3A_832 : i32
      %lt3A_834 = arith.constant 0 : i32
      %lt3A_835 = arith.cmpi slt, %select_n3A_828, %lt3A_834 : i32
      %ne3A_836 = arith.xori %lt3A_833, %lt3A_835 : i1
      %and3A_837 = arith.andi %ne3A_836, %ne3A_831 : i1
      %add3A_838 = arith.addi %rem3A_829, %select_n3A_828 : i32
      %select_n3A_839 = arith.select %and3A_837, %add3A_838, %rem3A_829 : i32
      %mul3A_840 = arith.constant 128 : i32
      %mul3A_841 = arith.muli %select_n3A_839, %mul3A_840 : i32
      %jit3A_842 = arith.constant 4 : i32
      %div3A_843 = arith.divsi %select_n3A_823, %jit3A_842 : i32
      %sign3A_844 = arith.constant 0 : i32
      %sign3A_845 = arith.cmpi sgt, %select_n3A_823, %sign3A_844 : i32
      %sign3A_846 = arith.extui %sign3A_845 : i1 to i32
      %sign3A_847 = arith.constant 0 : i32
      %sign3A_848 = arith.cmpi slt, %select_n3A_823, %sign3A_847 : i32
      %sign3A_849 = arith.extui %sign3A_848 : i1 to i32
      %sign3A_850 = arith.subi %sign3A_846, %sign3A_849 : i32
      %sign3A_851 = arith.constant 0 : i32
      %sign3A_852 = arith.cmpi sgt, %jit3A_842, %sign3A_851 : i32
      %sign3A_853 = arith.extui %sign3A_852 : i1 to i32
      %sign3A_854 = arith.constant 0 : i32
      %sign3A_855 = arith.cmpi slt, %jit3A_842, %sign3A_854 : i32
      %sign3A_856 = arith.extui %sign3A_855 : i1 to i32
      %sign3A_857 = arith.subi %sign3A_853, %sign3A_856 : i32
      %ne3A_858 = arith.cmpi ne, %sign3A_850, %sign3A_857 : i32
      %rem3A_859 = arith.remsi %select_n3A_823, %jit3A_842 : i32
      %ne3A_860 = arith.constant 0 : i32
      %ne3A_861 = arith.cmpi ne, %rem3A_859, %ne3A_860 : i32
      %and3A_862 = arith.andi %ne3A_858, %ne3A_861 : i1
      %sub3A_863 = arith.constant 1 : i32
      %sub3A_864 = arith.subi %div3A_843, %sub3A_863 : i32
      %select_n3A_865 = arith.select %and3A_862, %sub3A_864, %div3A_843 : i32
      %add3A_866 = arith.addi %mul3A_2, %mul3A_841 : i32
      %jit3A_867 = arith.constant 4 : i32
      %eq3A_868 = arith.constant 0 : i32
      %eq3A_869 = arith.cmpi eq, %jit3A_867, %eq3A_868 : i32
      %jit3A_870 = arith.constant 1 : i32
      %select_n3A_871 = arith.select %eq3A_869, %jit3A_870, %jit3A_867 : i32
      %rem3A_872 = arith.remsi %select_n3A_823, %select_n3A_871 : i32
      %ne3A_873 = arith.constant 0 : i32
      %ne3A_874 = arith.cmpi ne, %rem3A_872, %ne3A_873 : i32
      %lt3A_875 = arith.constant 0 : i32
      %lt3A_876 = arith.cmpi slt, %rem3A_872, %lt3A_875 : i32
      %lt3A_877 = arith.constant 0 : i32
      %lt3A_878 = arith.cmpi slt, %select_n3A_871, %lt3A_877 : i32
      %ne3A_879 = arith.xori %lt3A_876, %lt3A_878 : i1
      %and3A_880 = arith.andi %ne3A_879, %ne3A_874 : i1
      %add3A_881 = arith.addi %rem3A_872, %select_n3A_871 : i32
      %select_n3A_882 = arith.select %and3A_880, %add3A_881, %rem3A_872 : i32
      %mul3A_883 = arith.constant 32 : i32
      %mul3A_884 = arith.muli %select_n3A_882, %mul3A_883 : i32
      %dma_start3A_885 = tpu.memref_slice %arg4[%select_n3A_865, %add3A_866, %mul3A_884] : memref<13x16384x128xf32, #tpu.memory_space<hbm>> -> memref<1x128x32xf32, #tpu.memory_space<hbm>>
      %dma_start3A_886 = tpu.memref_squeeze %dma_start3A_885 : memref<1x128x32xf32, #tpu.memory_space<hbm>> -> memref<128x32xf32, #tpu.memory_space<hbm>>
      %dma_start3A_887 = tpu.memref_slice %arg4[%select_n3A_865, %add3A_866, %mul3A_884] : memref<13x16384x128xf32, #tpu.memory_space<hbm>> -> memref<1x128x32xf32, #tpu.memory_space<hbm>>
      %dma_start3A_888 = tpu.memref_squeeze %dma_start3A_887 : memref<1x128x32xf32, #tpu.memory_space<hbm>> -> memref<128x32xf32, #tpu.memory_space<hbm>>
      tpu.enqueue_dma source(%arg11 : memref<128x32xf32, #tpu.memory_space<vmem>>) target(%dma_start3A_888 : memref<128x32xf32, #tpu.memory_space<hbm>>) target_semaphore(%arg27 : memref<!tpu.dma_semaphore, #tpu.memory_space<semaphore_mem>>)
      %add3A_889 = arith.constant 4 : i32
      %add3A_890 = arith.addi %add3A_792, %add3A_889 : i32
      %dma_wait3A_891 = arith.constant 0 : i32
      %dma_wait3A_892 = arith.constant 0 : i32
      %dma_wait3A_893 = arith.constant 0 : i32
      %dma_wait3A_894 = tpu.memref_slice %arg4[%dma_wait3A_891, %dma_wait3A_892, %dma_wait3A_893] : memref<13x16384x128xf32, #tpu.memory_space<hbm>> -> memref<1x128x32xf32, #tpu.memory_space<hbm>>
      %dma_wait3A_895 = tpu.memref_squeeze %dma_wait3A_894 : memref<1x128x32xf32, #tpu.memory_space<hbm>> -> memref<128x32xf32, #tpu.memory_space<hbm>>
      %dma_wait3A_896 = arith.constant 0 : i32
      %dma_wait3A_897 = arith.constant 0 : i32
      %dma_wait3A_898 = tpu.memref_slice %arg4[%dma_wait3A_891, %dma_wait3A_896, %dma_wait3A_897] : memref<13x16384x128xf32, #tpu.memory_space<hbm>> -> memref<1x128x32xf32, #tpu.memory_space<hbm>>
      %dma_wait3A_899 = tpu.memref_squeeze %dma_wait3A_898 : memref<1x128x32xf32, #tpu.memory_space<hbm>> -> memref<128x32xf32, #tpu.memory_space<hbm>>
      tpu.wait_dma2 semaphore(%arg23 : memref<!tpu.dma_semaphore, #tpu.memory_space<semaphore_mem>>) src(%arg7 : memref<128x32xf32, #tpu.memory_space<vmem>>) dst(%dma_wait3A_899 : memref<128x32xf32, #tpu.memory_space<hbm>>)
      %lt3A_900 = arith.constant 24 : i32
      %lt3A_901 = arith.cmpi slt, %scan3A_69, %lt3A_900 : i32
      %convert_element_type3A_902 = arith.extui %lt3A_901 : i1 to i32
      %cond3A_903 = arith.constant 0 : i32
      %cond3A_904 = arith.cmpi ne, %convert_element_type3A_902, %cond3A_903 : i32
      scf.if %cond3A_904 {
        %jit3A_1137 = arith.constant 4 : i32
        %div3A_1138 = arith.divsi %add3A_890, %jit3A_1137 : i32
        %sign3A_1139 = arith.constant 0 : i32
        %sign3A_1140 = arith.cmpi sgt, %add3A_890, %sign3A_1139 : i32
        %sign3A_1141 = arith.extui %sign3A_1140 : i1 to i32
        %sign3A_1142 = arith.constant 0 : i32
        %sign3A_1143 = arith.cmpi slt, %add3A_890, %sign3A_1142 : i32
        %sign3A_1144 = arith.extui %sign3A_1143 : i1 to i32
        %sign3A_1145 = arith.subi %sign3A_1141, %sign3A_1144 : i32
        %sign3A_1146 = arith.constant 0 : i32
        %sign3A_1147 = arith.cmpi sgt, %jit3A_1137, %sign3A_1146 : i32
        %sign3A_1148 = arith.extui %sign3A_1147 : i1 to i32
        %sign3A_1149 = arith.constant 0 : i32
        %sign3A_1150 = arith.cmpi slt, %jit3A_1137, %sign3A_1149 : i32
        %sign3A_1151 = arith.extui %sign3A_1150 : i1 to i32
        %sign3A_1152 = arith.subi %sign3A_1148, %sign3A_1151 : i32
        %ne3A_1153 = arith.cmpi ne, %sign3A_1145, %sign3A_1152 : i32
        %rem3A_1154 = arith.remsi %add3A_890, %jit3A_1137 : i32
        %ne3A_1155 = arith.constant 0 : i32
        %ne3A_1156 = arith.cmpi ne, %rem3A_1154, %ne3A_1155 : i32
        %and3A_1157 = arith.andi %ne3A_1153, %ne3A_1156 : i1
        %sub3A_1158 = arith.constant 1 : i32
        %sub3A_1159 = arith.subi %div3A_1138, %sub3A_1158 : i32
        %select_n3A_1160 = arith.select %and3A_1157, %sub3A_1159, %div3A_1138 : i32
        %jit3A_1161 = arith.constant 4 : i32
        %eq3A_1162 = arith.constant 0 : i32
        %eq3A_1163 = arith.cmpi eq, %jit3A_1161, %eq3A_1162 : i32
        %jit3A_1164 = arith.constant 1 : i32
        %select_n3A_1165 = arith.select %eq3A_1163, %jit3A_1164, %jit3A_1161 : i32
        %rem3A_1166 = arith.remsi %add3A_890, %select_n3A_1165 : i32
        %ne3A_1167 = arith.constant 0 : i32
        %ne3A_1168 = arith.cmpi ne, %rem3A_1166, %ne3A_1167 : i32
        %lt3A_1169 = arith.constant 0 : i32
        %lt3A_1170 = arith.cmpi slt, %rem3A_1166, %lt3A_1169 : i32
        %lt3A_1171 = arith.constant 0 : i32
        %lt3A_1172 = arith.cmpi slt, %select_n3A_1165, %lt3A_1171 : i32
        %ne3A_1173 = arith.xori %lt3A_1170, %lt3A_1172 : i1
        %and3A_1174 = arith.andi %ne3A_1173, %ne3A_1168 : i1
        %add3A_1175 = arith.addi %rem3A_1166, %select_n3A_1165 : i32
        %select_n3A_1176 = arith.select %and3A_1174, %add3A_1175, %rem3A_1166 : i32
        %mul3A_1177 = arith.constant 128 : i32
        %mul3A_1178 = arith.muli %select_n3A_1176, %mul3A_1177 : i32
        %dma_start3A_1179 = tpu.memref_slice %arg5[%select_n3A_1160, %mul3A_1178] : memref<50x512xi32, #tpu.memory_space<vmem>> -> memref<1x128xi32, #tpu.memory_space<vmem>>
        %dma_start3A_1180 = tpu.memref_squeeze %dma_start3A_1179 : memref<1x128xi32, #tpu.memory_space<vmem>> -> memref<128xi32, #tpu.memory_space<vmem>>
        %dma_start3A_1181 = arith.constant 0 : i32
        %dma_start3A_1182 = arith.constant 0 : i32
        %dma_start3A_1183 = tpu.memref_slice %arg3[%dma_start3A_1181, %dma_start3A_1182] : memref<1015808x32xf32, #tpu.memory_space<hbm>> -> memref<1015808x32xf32, #tpu.memory_space<hbm>>
        tpu.enqueue_indirect_dma source(%dma_start3A_1183 : memref<1015808x32xf32, #tpu.memory_space<hbm>>) target(%arg7 : memref<128x32xf32, #tpu.memory_space<vmem>>) offsets(%dma_start3A_1180 : memref<128xi32, #tpu.memory_space<vmem>>) semaphore(%arg15 : memref<!tpu.dma_semaphore, #tpu.memory_space<semaphore_mem>>)
      } else {
      }
      %mul3A_905 = arith.constant 8 : i32
      %mul3A_906 = arith.muli %scan3A_69, %mul3A_905 : i32
      %add3A_907 = arith.constant 6 : i32
      %add3A_908 = arith.addi %mul3A_906, %add3A_907 : i32
      %dma_wait3A_909 = arith.constant 0 : i32
      %dma_wait3A_910 = arith.constant 0 : i32
      %dma_wait3A_911 = tpu.memref_slice %arg5[%dma_wait3A_909, %dma_wait3A_910] : memref<50x512xi32, #tpu.memory_space<vmem>> -> memref<1x128xi32, #tpu.memory_space<vmem>>
      %dma_wait3A_912 = tpu.memref_squeeze %dma_wait3A_911 : memref<1x128xi32, #tpu.memory_space<vmem>> -> memref<128xi32, #tpu.memory_space<vmem>>
      %dma_wait3A_913 = arith.constant 0 : i32
      %dma_wait3A_914 = arith.constant 0 : i32
      %dma_wait3A_915 = tpu.memref_slice %arg3[%dma_wait3A_913, %dma_wait3A_914] : memref<1015808x32xf32, #tpu.memory_space<hbm>> -> memref<1015808x32xf32, #tpu.memory_space<hbm>>
      tpu.wait_indirect_dma semaphore(%arg20 : memref<!tpu.dma_semaphore, #tpu.memory_space<semaphore_mem>>) src(%dma_wait3A_915 : memref<1015808x32xf32, #tpu.memory_space<hbm>>) dst(%arg12 : memref<128x32xf32, #tpu.memory_space<vmem>>)
      %jit3A_916 = arith.constant 4 : i32
      %div3A_917 = arith.divsi %add3A_908, %jit3A_916 : i32
      %sign3A_918 = arith.constant 0 : i32
      %sign3A_919 = arith.cmpi sgt, %add3A_908, %sign3A_918 : i32
      %sign3A_920 = arith.extui %sign3A_919 : i1 to i32
      %sign3A_921 = arith.constant 0 : i32
      %sign3A_922 = arith.cmpi slt, %add3A_908, %sign3A_921 : i32
      %sign3A_923 = arith.extui %sign3A_922 : i1 to i32
      %sign3A_924 = arith.subi %sign3A_920, %sign3A_923 : i32
      %sign3A_925 = arith.constant 0 : i32
      %sign3A_926 = arith.cmpi sgt, %jit3A_916, %sign3A_925 : i32
      %sign3A_927 = arith.extui %sign3A_926 : i1 to i32
      %sign3A_928 = arith.constant 0 : i32
      %sign3A_929 = arith.cmpi slt, %jit3A_916, %sign3A_928 : i32
      %sign3A_930 = arith.extui %sign3A_929 : i1 to i32
      %sign3A_931 = arith.subi %sign3A_927, %sign3A_930 : i32
      %ne3A_932 = arith.cmpi ne, %sign3A_924, %sign3A_931 : i32
      %rem3A_933 = arith.remsi %add3A_908, %jit3A_916 : i32
      %ne3A_934 = arith.constant 0 : i32
      %ne3A_935 = arith.cmpi ne, %rem3A_933, %ne3A_934 : i32
      %and3A_936 = arith.andi %ne3A_932, %ne3A_935 : i1
      %sub3A_937 = arith.constant 1 : i32
      %sub3A_938 = arith.subi %div3A_917, %sub3A_937 : i32
      %select_n3A_939 = arith.select %and3A_936, %sub3A_938, %div3A_917 : i32
      %jit3A_940 = arith.constant 4 : i32
      %eq3A_941 = arith.constant 0 : i32
      %eq3A_942 = arith.cmpi eq, %jit3A_940, %eq3A_941 : i32
      %jit3A_943 = arith.constant 1 : i32
      %select_n3A_944 = arith.select %eq3A_942, %jit3A_943, %jit3A_940 : i32
      %rem3A_945 = arith.remsi %add3A_908, %select_n3A_944 : i32
      %ne3A_946 = arith.constant 0 : i32
      %ne3A_947 = arith.cmpi ne, %rem3A_945, %ne3A_946 : i32
      %lt3A_948 = arith.constant 0 : i32
      %lt3A_949 = arith.cmpi slt, %rem3A_945, %lt3A_948 : i32
      %lt3A_950 = arith.constant 0 : i32
      %lt3A_951 = arith.cmpi slt, %select_n3A_944, %lt3A_950 : i32
      %ne3A_952 = arith.xori %lt3A_949, %lt3A_951 : i1
      %and3A_953 = arith.andi %ne3A_952, %ne3A_947 : i1
      %add3A_954 = arith.addi %rem3A_945, %select_n3A_944 : i32
      %select_n3A_955 = arith.select %and3A_953, %add3A_954, %rem3A_945 : i32
      %mul3A_956 = arith.constant 128 : i32
      %mul3A_957 = arith.muli %select_n3A_955, %mul3A_956 : i32
      %jit3A_958 = arith.constant 4 : i32
      %div3A_959 = arith.divsi %select_n3A_939, %jit3A_958 : i32
      %sign3A_960 = arith.constant 0 : i32
      %sign3A_961 = arith.cmpi sgt, %select_n3A_939, %sign3A_960 : i32
      %sign3A_962 = arith.extui %sign3A_961 : i1 to i32
      %sign3A_963 = arith.constant 0 : i32
      %sign3A_964 = arith.cmpi slt, %select_n3A_939, %sign3A_963 : i32
      %sign3A_965 = arith.extui %sign3A_964 : i1 to i32
      %sign3A_966 = arith.subi %sign3A_962, %sign3A_965 : i32
      %sign3A_967 = arith.constant 0 : i32
      %sign3A_968 = arith.cmpi sgt, %jit3A_958, %sign3A_967 : i32
      %sign3A_969 = arith.extui %sign3A_968 : i1 to i32
      %sign3A_970 = arith.constant 0 : i32
      %sign3A_971 = arith.cmpi slt, %jit3A_958, %sign3A_970 : i32
      %sign3A_972 = arith.extui %sign3A_971 : i1 to i32
      %sign3A_973 = arith.subi %sign3A_969, %sign3A_972 : i32
      %ne3A_974 = arith.cmpi ne, %sign3A_966, %sign3A_973 : i32
      %rem3A_975 = arith.remsi %select_n3A_939, %jit3A_958 : i32
      %ne3A_976 = arith.constant 0 : i32
      %ne3A_977 = arith.cmpi ne, %rem3A_975, %ne3A_976 : i32
      %and3A_978 = arith.andi %ne3A_974, %ne3A_977 : i1
      %sub3A_979 = arith.constant 1 : i32
      %sub3A_980 = arith.subi %div3A_959, %sub3A_979 : i32
      %select_n3A_981 = arith.select %and3A_978, %sub3A_980, %div3A_959 : i32
      %add3A_982 = arith.addi %mul3A_2, %mul3A_957 : i32
      %jit3A_983 = arith.constant 4 : i32
      %eq3A_984 = arith.constant 0 : i32
      %eq3A_985 = arith.cmpi eq, %jit3A_983, %eq3A_984 : i32
      %jit3A_986 = arith.constant 1 : i32
      %select_n3A_987 = arith.select %eq3A_985, %jit3A_986, %jit3A_983 : i32
      %rem3A_988 = arith.remsi %select_n3A_939, %select_n3A_987 : i32
      %ne3A_989 = arith.constant 0 : i32
      %ne3A_990 = arith.cmpi ne, %rem3A_988, %ne3A_989 : i32
      %lt3A_991 = arith.constant 0 : i32
      %lt3A_992 = arith.cmpi slt, %rem3A_988, %lt3A_991 : i32
      %lt3A_993 = arith.constant 0 : i32
      %lt3A_994 = arith.cmpi slt, %select_n3A_987, %lt3A_993 : i32
      %ne3A_995 = arith.xori %lt3A_992, %lt3A_994 : i1
      %and3A_996 = arith.andi %ne3A_995, %ne3A_990 : i1
      %add3A_997 = arith.addi %rem3A_988, %select_n3A_987 : i32
      %select_n3A_998 = arith.select %and3A_996, %add3A_997, %rem3A_988 : i32
      %mul3A_999 = arith.constant 32 : i32
      %mul3A_1000 = arith.muli %select_n3A_998, %mul3A_999 : i32
      %dma_start3A_1001 = tpu.memref_slice %arg4[%select_n3A_981, %add3A_982, %mul3A_1000] : memref<13x16384x128xf32, #tpu.memory_space<hbm>> -> memref<1x128x32xf32, #tpu.memory_space<hbm>>
      %dma_start3A_1002 = tpu.memref_squeeze %dma_start3A_1001 : memref<1x128x32xf32, #tpu.memory_space<hbm>> -> memref<128x32xf32, #tpu.memory_space<hbm>>
      %dma_start3A_1003 = tpu.memref_slice %arg4[%select_n3A_981, %add3A_982, %mul3A_1000] : memref<13x16384x128xf32, #tpu.memory_space<hbm>> -> memref<1x128x32xf32, #tpu.memory_space<hbm>>
      %dma_start3A_1004 = tpu.memref_squeeze %dma_start3A_1003 : memref<1x128x32xf32, #tpu.memory_space<hbm>> -> memref<128x32xf32, #tpu.memory_space<hbm>>
      tpu.enqueue_dma source(%arg12 : memref<128x32xf32, #tpu.memory_space<vmem>>) target(%dma_start3A_1004 : memref<128x32xf32, #tpu.memory_space<hbm>>) target_semaphore(%arg28 : memref<!tpu.dma_semaphore, #tpu.memory_space<semaphore_mem>>)
      %add3A_1005 = arith.constant 4 : i32
      %add3A_1006 = arith.addi %add3A_908, %add3A_1005 : i32
      %dma_wait3A_1007 = arith.constant 0 : i32
      %dma_wait3A_1008 = arith.constant 0 : i32
      %dma_wait3A_1009 = arith.constant 0 : i32
      %dma_wait3A_1010 = tpu.memref_slice %arg4[%dma_wait3A_1007, %dma_wait3A_1008, %dma_wait3A_1009] : memref<13x16384x128xf32, #tpu.memory_space<hbm>> -> memref<1x128x32xf32, #tpu.memory_space<hbm>>
      %dma_wait3A_1011 = tpu.memref_squeeze %dma_wait3A_1010 : memref<1x128x32xf32, #tpu.memory_space<hbm>> -> memref<128x32xf32, #tpu.memory_space<hbm>>
      %dma_wait3A_1012 = arith.constant 0 : i32
      %dma_wait3A_1013 = arith.constant 0 : i32
      %dma_wait3A_1014 = tpu.memref_slice %arg4[%dma_wait3A_1007, %dma_wait3A_1012, %dma_wait3A_1013] : memref<13x16384x128xf32, #tpu.memory_space<hbm>> -> memref<1x128x32xf32, #tpu.memory_space<hbm>>
      %dma_wait3A_1015 = tpu.memref_squeeze %dma_wait3A_1014 : memref<1x128x32xf32, #tpu.memory_space<hbm>> -> memref<128x32xf32, #tpu.memory_space<hbm>>
      tpu.wait_dma2 semaphore(%arg24 : memref<!tpu.dma_semaphore, #tpu.memory_space<semaphore_mem>>) src(%arg8 : memref<128x32xf32, #tpu.memory_space<vmem>>) dst(%dma_wait3A_1015 : memref<128x32xf32, #tpu.memory_space<hbm>>)
      %lt3A_1016 = arith.constant 24 : i32
      %lt3A_1017 = arith.cmpi slt, %scan3A_69, %lt3A_1016 : i32
      %convert_element_type3A_1018 = arith.extui %lt3A_1017 : i1 to i32
      %cond3A_1019 = arith.constant 0 : i32
      %cond3A_1020 = arith.cmpi ne, %convert_element_type3A_1018, %cond3A_1019 : i32
      scf.if %cond3A_1020 {
        %jit3A_1137 = arith.constant 4 : i32
        %div3A_1138 = arith.divsi %add3A_1006, %jit3A_1137 : i32
        %sign3A_1139 = arith.constant 0 : i32
        %sign3A_1140 = arith.cmpi sgt, %add3A_1006, %sign3A_1139 : i32
        %sign3A_1141 = arith.extui %sign3A_1140 : i1 to i32
        %sign3A_1142 = arith.constant 0 : i32
        %sign3A_1143 = arith.cmpi slt, %add3A_1006, %sign3A_1142 : i32
        %sign3A_1144 = arith.extui %sign3A_1143 : i1 to i32
        %sign3A_1145 = arith.subi %sign3A_1141, %sign3A_1144 : i32
        %sign3A_1146 = arith.constant 0 : i32
        %sign3A_1147 = arith.cmpi sgt, %jit3A_1137, %sign3A_1146 : i32
        %sign3A_1148 = arith.extui %sign3A_1147 : i1 to i32
        %sign3A_1149 = arith.constant 0 : i32
        %sign3A_1150 = arith.cmpi slt, %jit3A_1137, %sign3A_1149 : i32
        %sign3A_1151 = arith.extui %sign3A_1150 : i1 to i32
        %sign3A_1152 = arith.subi %sign3A_1148, %sign3A_1151 : i32
        %ne3A_1153 = arith.cmpi ne, %sign3A_1145, %sign3A_1152 : i32
        %rem3A_1154 = arith.remsi %add3A_1006, %jit3A_1137 : i32
        %ne3A_1155 = arith.constant 0 : i32
        %ne3A_1156 = arith.cmpi ne, %rem3A_1154, %ne3A_1155 : i32
        %and3A_1157 = arith.andi %ne3A_1153, %ne3A_1156 : i1
        %sub3A_1158 = arith.constant 1 : i32
        %sub3A_1159 = arith.subi %div3A_1138, %sub3A_1158 : i32
        %select_n3A_1160 = arith.select %and3A_1157, %sub3A_1159, %div3A_1138 : i32
        %jit3A_1161 = arith.constant 4 : i32
        %eq3A_1162 = arith.constant 0 : i32
        %eq3A_1163 = arith.cmpi eq, %jit3A_1161, %eq3A_1162 : i32
        %jit3A_1164 = arith.constant 1 : i32
        %select_n3A_1165 = arith.select %eq3A_1163, %jit3A_1164, %jit3A_1161 : i32
        %rem3A_1166 = arith.remsi %add3A_1006, %select_n3A_1165 : i32
        %ne3A_1167 = arith.constant 0 : i32
        %ne3A_1168 = arith.cmpi ne, %rem3A_1166, %ne3A_1167 : i32
        %lt3A_1169 = arith.constant 0 : i32
        %lt3A_1170 = arith.cmpi slt, %rem3A_1166, %lt3A_1169 : i32
        %lt3A_1171 = arith.constant 0 : i32
        %lt3A_1172 = arith.cmpi slt, %select_n3A_1165, %lt3A_1171 : i32
        %ne3A_1173 = arith.xori %lt3A_1170, %lt3A_1172 : i1
        %and3A_1174 = arith.andi %ne3A_1173, %ne3A_1168 : i1
        %add3A_1175 = arith.addi %rem3A_1166, %select_n3A_1165 : i32
        %select_n3A_1176 = arith.select %and3A_1174, %add3A_1175, %rem3A_1166 : i32
        %mul3A_1177 = arith.constant 128 : i32
        %mul3A_1178 = arith.muli %select_n3A_1176, %mul3A_1177 : i32
        %dma_start3A_1179 = tpu.memref_slice %arg5[%select_n3A_1160, %mul3A_1178] : memref<50x512xi32, #tpu.memory_space<vmem>> -> memref<1x128xi32, #tpu.memory_space<vmem>>
        %dma_start3A_1180 = tpu.memref_squeeze %dma_start3A_1179 : memref<1x128xi32, #tpu.memory_space<vmem>> -> memref<128xi32, #tpu.memory_space<vmem>>
        %dma_start3A_1181 = arith.constant 0 : i32
        %dma_start3A_1182 = arith.constant 0 : i32
        %dma_start3A_1183 = tpu.memref_slice %arg3[%dma_start3A_1181, %dma_start3A_1182] : memref<1015808x32xf32, #tpu.memory_space<hbm>> -> memref<1015808x32xf32, #tpu.memory_space<hbm>>
        tpu.enqueue_indirect_dma source(%dma_start3A_1183 : memref<1015808x32xf32, #tpu.memory_space<hbm>>) target(%arg8 : memref<128x32xf32, #tpu.memory_space<vmem>>) offsets(%dma_start3A_1180 : memref<128xi32, #tpu.memory_space<vmem>>) semaphore(%arg16 : memref<!tpu.dma_semaphore, #tpu.memory_space<semaphore_mem>>)
      } else {
      }
      %mul3A_1021 = arith.constant 8 : i32
      %mul3A_1022 = arith.muli %scan3A_69, %mul3A_1021 : i32
      %add3A_1023 = arith.constant 7 : i32
      %add3A_1024 = arith.addi %mul3A_1022, %add3A_1023 : i32
      %dma_wait3A_1025 = arith.constant 0 : i32
      %dma_wait3A_1026 = arith.constant 0 : i32
      %dma_wait3A_1027 = tpu.memref_slice %arg5[%dma_wait3A_1025, %dma_wait3A_1026] : memref<50x512xi32, #tpu.memory_space<vmem>> -> memref<1x128xi32, #tpu.memory_space<vmem>>
      %dma_wait3A_1028 = tpu.memref_squeeze %dma_wait3A_1027 : memref<1x128xi32, #tpu.memory_space<vmem>> -> memref<128xi32, #tpu.memory_space<vmem>>
      %dma_wait3A_1029 = arith.constant 0 : i32
      %dma_wait3A_1030 = arith.constant 0 : i32
      %dma_wait3A_1031 = tpu.memref_slice %arg3[%dma_wait3A_1029, %dma_wait3A_1030] : memref<1015808x32xf32, #tpu.memory_space<hbm>> -> memref<1015808x32xf32, #tpu.memory_space<hbm>>
      tpu.wait_indirect_dma semaphore(%arg21 : memref<!tpu.dma_semaphore, #tpu.memory_space<semaphore_mem>>) src(%dma_wait3A_1031 : memref<1015808x32xf32, #tpu.memory_space<hbm>>) dst(%arg13 : memref<128x32xf32, #tpu.memory_space<vmem>>)
      %jit3A_1032 = arith.constant 4 : i32
      %div3A_1033 = arith.divsi %add3A_1024, %jit3A_1032 : i32
      %sign3A_1034 = arith.constant 0 : i32
      %sign3A_1035 = arith.cmpi sgt, %add3A_1024, %sign3A_1034 : i32
      %sign3A_1036 = arith.extui %sign3A_1035 : i1 to i32
      %sign3A_1037 = arith.constant 0 : i32
      %sign3A_1038 = arith.cmpi slt, %add3A_1024, %sign3A_1037 : i32
      %sign3A_1039 = arith.extui %sign3A_1038 : i1 to i32
      %sign3A_1040 = arith.subi %sign3A_1036, %sign3A_1039 : i32
      %sign3A_1041 = arith.constant 0 : i32
      %sign3A_1042 = arith.cmpi sgt, %jit3A_1032, %sign3A_1041 : i32
      %sign3A_1043 = arith.extui %sign3A_1042 : i1 to i32
      %sign3A_1044 = arith.constant 0 : i32
      %sign3A_1045 = arith.cmpi slt, %jit3A_1032, %sign3A_1044 : i32
      %sign3A_1046 = arith.extui %sign3A_1045 : i1 to i32
      %sign3A_1047 = arith.subi %sign3A_1043, %sign3A_1046 : i32
      %ne3A_1048 = arith.cmpi ne, %sign3A_1040, %sign3A_1047 : i32
      %rem3A_1049 = arith.remsi %add3A_1024, %jit3A_1032 : i32
      %ne3A_1050 = arith.constant 0 : i32
      %ne3A_1051 = arith.cmpi ne, %rem3A_1049, %ne3A_1050 : i32
      %and3A_1052 = arith.andi %ne3A_1048, %ne3A_1051 : i1
      %sub3A_1053 = arith.constant 1 : i32
      %sub3A_1054 = arith.subi %div3A_1033, %sub3A_1053 : i32
      %select_n3A_1055 = arith.select %and3A_1052, %sub3A_1054, %div3A_1033 : i32
      %jit3A_1056 = arith.constant 4 : i32
      %eq3A_1057 = arith.constant 0 : i32
      %eq3A_1058 = arith.cmpi eq, %jit3A_1056, %eq3A_1057 : i32
      %jit3A_1059 = arith.constant 1 : i32
      %select_n3A_1060 = arith.select %eq3A_1058, %jit3A_1059, %jit3A_1056 : i32
      %rem3A_1061 = arith.remsi %add3A_1024, %select_n3A_1060 : i32
      %ne3A_1062 = arith.constant 0 : i32
      %ne3A_1063 = arith.cmpi ne, %rem3A_1061, %ne3A_1062 : i32
      %lt3A_1064 = arith.constant 0 : i32
      %lt3A_1065 = arith.cmpi slt, %rem3A_1061, %lt3A_1064 : i32
      %lt3A_1066 = arith.constant 0 : i32
      %lt3A_1067 = arith.cmpi slt, %select_n3A_1060, %lt3A_1066 : i32
      %ne3A_1068 = arith.xori %lt3A_1065, %lt3A_1067 : i1
      %and3A_1069 = arith.andi %ne3A_1068, %ne3A_1063 : i1
      %add3A_1070 = arith.addi %rem3A_1061, %select_n3A_1060 : i32
      %select_n3A_1071 = arith.select %and3A_1069, %add3A_1070, %rem3A_1061 : i32
      %mul3A_1072 = arith.constant 128 : i32
      %mul3A_1073 = arith.muli %select_n3A_1071, %mul3A_1072 : i32
      %jit3A_1074 = arith.constant 4 : i32
      %div3A_1075 = arith.divsi %select_n3A_1055, %jit3A_1074 : i32
      %sign3A_1076 = arith.constant 0 : i32
      %sign3A_1077 = arith.cmpi sgt, %select_n3A_1055, %sign3A_1076 : i32
      %sign3A_1078 = arith.extui %sign3A_1077 : i1 to i32
      %sign3A_1079 = arith.constant 0 : i32
      %sign3A_1080 = arith.cmpi slt, %select_n3A_1055, %sign3A_1079 : i32
      %sign3A_1081 = arith.extui %sign3A_1080 : i1 to i32
      %sign3A_1082 = arith.subi %sign3A_1078, %sign3A_1081 : i32
      %sign3A_1083 = arith.constant 0 : i32
      %sign3A_1084 = arith.cmpi sgt, %jit3A_1074, %sign3A_1083 : i32
      %sign3A_1085 = arith.extui %sign3A_1084 : i1 to i32
      %sign3A_1086 = arith.constant 0 : i32
      %sign3A_1087 = arith.cmpi slt, %jit3A_1074, %sign3A_1086 : i32
      %sign3A_1088 = arith.extui %sign3A_1087 : i1 to i32
      %sign3A_1089 = arith.subi %sign3A_1085, %sign3A_1088 : i32
      %ne3A_1090 = arith.cmpi ne, %sign3A_1082, %sign3A_1089 : i32
      %rem3A_1091 = arith.remsi %select_n3A_1055, %jit3A_1074 : i32
      %ne3A_1092 = arith.constant 0 : i32
      %ne3A_1093 = arith.cmpi ne, %rem3A_1091, %ne3A_1092 : i32
      %and3A_1094 = arith.andi %ne3A_1090, %ne3A_1093 : i1
      %sub3A_1095 = arith.constant 1 : i32
      %sub3A_1096 = arith.subi %div3A_1075, %sub3A_1095 : i32
      %select_n3A_1097 = arith.select %and3A_1094, %sub3A_1096, %div3A_1075 : i32
      %add3A_1098 = arith.addi %mul3A_2, %mul3A_1073 : i32
      %jit3A_1099 = arith.constant 4 : i32
      %eq3A_1100 = arith.constant 0 : i32
      %eq3A_1101 = arith.cmpi eq, %jit3A_1099, %eq3A_1100 : i32
      %jit3A_1102 = arith.constant 1 : i32
      %select_n3A_1103 = arith.select %eq3A_1101, %jit3A_1102, %jit3A_1099 : i32
      %rem3A_1104 = arith.remsi %select_n3A_1055, %select_n3A_1103 : i32
      %ne3A_1105 = arith.constant 0 : i32
      %ne3A_1106 = arith.cmpi ne, %rem3A_1104, %ne3A_1105 : i32
      %lt3A_1107 = arith.constant 0 : i32
      %lt3A_1108 = arith.cmpi slt, %rem3A_1104, %lt3A_1107 : i32
      %lt3A_1109 = arith.constant 0 : i32
      %lt3A_1110 = arith.cmpi slt, %select_n3A_1103, %lt3A_1109 : i32
      %ne3A_1111 = arith.xori %lt3A_1108, %lt3A_1110 : i1
      %and3A_1112 = arith.andi %ne3A_1111, %ne3A_1106 : i1
      %add3A_1113 = arith.addi %rem3A_1104, %select_n3A_1103 : i32
      %select_n3A_1114 = arith.select %and3A_1112, %add3A_1113, %rem3A_1104 : i32
      %mul3A_1115 = arith.constant 32 : i32
      %mul3A_1116 = arith.muli %select_n3A_1114, %mul3A_1115 : i32
      %dma_start3A_1117 = tpu.memref_slice %arg4[%select_n3A_1097, %add3A_1098, %mul3A_1116] : memref<13x16384x128xf32, #tpu.memory_space<hbm>> -> memref<1x128x32xf32, #tpu.memory_space<hbm>>
      %dma_start3A_1118 = tpu.memref_squeeze %dma_start3A_1117 : memref<1x128x32xf32, #tpu.memory_space<hbm>> -> memref<128x32xf32, #tpu.memory_space<hbm>>
      %dma_start3A_1119 = tpu.memref_slice %arg4[%select_n3A_1097, %add3A_1098, %mul3A_1116] : memref<13x16384x128xf32, #tpu.memory_space<hbm>> -> memref<1x128x32xf32, #tpu.memory_space<hbm>>
      %dma_start3A_1120 = tpu.memref_squeeze %dma_start3A_1119 : memref<1x128x32xf32, #tpu.memory_space<hbm>> -> memref<128x32xf32, #tpu.memory_space<hbm>>
      tpu.enqueue_dma source(%arg13 : memref<128x32xf32, #tpu.memory_space<vmem>>) target(%dma_start3A_1120 : memref<128x32xf32, #tpu.memory_space<hbm>>) target_semaphore(%arg29 : memref<!tpu.dma_semaphore, #tpu.memory_space<semaphore_mem>>)
      %add3A_1121 = arith.constant 4 : i32
      %add3A_1122 = arith.addi %add3A_1024, %add3A_1121 : i32
      %dma_wait3A_1123 = arith.constant 0 : i32
      %dma_wait3A_1124 = arith.constant 0 : i32
      %dma_wait3A_1125 = arith.constant 0 : i32
      %dma_wait3A_1126 = tpu.memref_slice %arg4[%dma_wait3A_1123, %dma_wait3A_1124, %dma_wait3A_1125] : memref<13x16384x128xf32, #tpu.memory_space<hbm>> -> memref<1x128x32xf32, #tpu.memory_space<hbm>>
      %dma_wait3A_1127 = tpu.memref_squeeze %dma_wait3A_1126 : memref<1x128x32xf32, #tpu.memory_space<hbm>> -> memref<128x32xf32, #tpu.memory_space<hbm>>
      %dma_wait3A_1128 = arith.constant 0 : i32
      %dma_wait3A_1129 = arith.constant 0 : i32
      %dma_wait3A_1130 = tpu.memref_slice %arg4[%dma_wait3A_1123, %dma_wait3A_1128, %dma_wait3A_1129] : memref<13x16384x128xf32, #tpu.memory_space<hbm>> -> memref<1x128x32xf32, #tpu.memory_space<hbm>>
      %dma_wait3A_1131 = tpu.memref_squeeze %dma_wait3A_1130 : memref<1x128x32xf32, #tpu.memory_space<hbm>> -> memref<128x32xf32, #tpu.memory_space<hbm>>
      tpu.wait_dma2 semaphore(%arg25 : memref<!tpu.dma_semaphore, #tpu.memory_space<semaphore_mem>>) src(%arg9 : memref<128x32xf32, #tpu.memory_space<vmem>>) dst(%dma_wait3A_1131 : memref<128x32xf32, #tpu.memory_space<hbm>>)
      %lt3A_1132 = arith.constant 24 : i32
      %lt3A_1133 = arith.cmpi slt, %scan3A_69, %lt3A_1132 : i32
      %convert_element_type3A_1134 = arith.extui %lt3A_1133 : i1 to i32
      %cond3A_1135 = arith.constant 0 : i32
      %cond3A_1136 = arith.cmpi ne, %convert_element_type3A_1134, %cond3A_1135 : i32
      scf.if %cond3A_1136 {
        %jit3A_1137 = arith.constant 4 : i32
        %div3A_1138 = arith.divsi %add3A_1122, %jit3A_1137 : i32
        %sign3A_1139 = arith.constant 0 : i32
        %sign3A_1140 = arith.cmpi sgt, %add3A_1122, %sign3A_1139 : i32
        %sign3A_1141 = arith.extui %sign3A_1140 : i1 to i32
        %sign3A_1142 = arith.constant 0 : i32
        %sign3A_1143 = arith.cmpi slt, %add3A_1122, %sign3A_1142 : i32
        %sign3A_1144 = arith.extui %sign3A_1143 : i1 to i32
        %sign3A_1145 = arith.subi %sign3A_1141, %sign3A_1144 : i32
        %sign3A_1146 = arith.constant 0 : i32
        %sign3A_1147 = arith.cmpi sgt, %jit3A_1137, %sign3A_1146 : i32
        %sign3A_1148 = arith.extui %sign3A_1147 : i1 to i32
        %sign3A_1149 = arith.constant 0 : i32
        %sign3A_1150 = arith.cmpi slt, %jit3A_1137, %sign3A_1149 : i32
        %sign3A_1151 = arith.extui %sign3A_1150 : i1 to i32
        %sign3A_1152 = arith.subi %sign3A_1148, %sign3A_1151 : i32
        %ne3A_1153 = arith.cmpi ne, %sign3A_1145, %sign3A_1152 : i32
        %rem3A_1154 = arith.remsi %add3A_1122, %jit3A_1137 : i32
        %ne3A_1155 = arith.constant 0 : i32
        %ne3A_1156 = arith.cmpi ne, %rem3A_1154, %ne3A_1155 : i32
        %and3A_1157 = arith.andi %ne3A_1153, %ne3A_1156 : i1
        %sub3A_1158 = arith.constant 1 : i32
        %sub3A_1159 = arith.subi %div3A_1138, %sub3A_1158 : i32
        %select_n3A_1160 = arith.select %and3A_1157, %sub3A_1159, %div3A_1138 : i32
        %jit3A_1161 = arith.constant 4 : i32
        %eq3A_1162 = arith.constant 0 : i32
        %eq3A_1163 = arith.cmpi eq, %jit3A_1161, %eq3A_1162 : i32
        %jit3A_1164 = arith.constant 1 : i32
        %select_n3A_1165 = arith.select %eq3A_1163, %jit3A_1164, %jit3A_1161 : i32
        %rem3A_1166 = arith.remsi %add3A_1122, %select_n3A_1165 : i32
        %ne3A_1167 = arith.constant 0 : i32
        %ne3A_1168 = arith.cmpi ne, %rem3A_1166, %ne3A_1167 : i32
        %lt3A_1169 = arith.constant 0 : i32
        %lt3A_1170 = arith.cmpi slt, %rem3A_1166, %lt3A_1169 : i32
        %lt3A_1171 = arith.constant 0 : i32
        %lt3A_1172 = arith.cmpi slt, %select_n3A_1165, %lt3A_1171 : i32
        %ne3A_1173 = arith.xori %lt3A_1170, %lt3A_1172 : i1
        %and3A_1174 = arith.andi %ne3A_1173, %ne3A_1168 : i1
        %add3A_1175 = arith.addi %rem3A_1166, %select_n3A_1165 : i32
        %select_n3A_1176 = arith.select %and3A_1174, %add3A_1175, %rem3A_1166 : i32
        %mul3A_1177 = arith.constant 128 : i32
        %mul3A_1178 = arith.muli %select_n3A_1176, %mul3A_1177 : i32
        %dma_start3A_1179 = tpu.memref_slice %arg5[%select_n3A_1160, %mul3A_1178] : memref<50x512xi32, #tpu.memory_space<vmem>> -> memref<1x128xi32, #tpu.memory_space<vmem>>
        %dma_start3A_1180 = tpu.memref_squeeze %dma_start3A_1179 : memref<1x128xi32, #tpu.memory_space<vmem>> -> memref<128xi32, #tpu.memory_space<vmem>>
        %dma_start3A_1181 = arith.constant 0 : i32
        %dma_start3A_1182 = arith.constant 0 : i32
        %dma_start3A_1183 = tpu.memref_slice %arg3[%dma_start3A_1181, %dma_start3A_1182] : memref<1015808x32xf32, #tpu.memory_space<hbm>> -> memref<1015808x32xf32, #tpu.memory_space<hbm>>
        tpu.enqueue_indirect_dma source(%dma_start3A_1183 : memref<1015808x32xf32, #tpu.memory_space<hbm>>) target(%arg9 : memref<128x32xf32, #tpu.memory_space<vmem>>) offsets(%dma_start3A_1180 : memref<128xi32, #tpu.memory_space<vmem>>) semaphore(%arg17 : memref<!tpu.dma_semaphore, #tpu.memory_space<semaphore_mem>>)
      } else {
      }
    }
    %scan3A_33 = arith.constant 25 : i32
    %dma_wait3A = arith.constant 0 : i32
    %dma_wait3A_34 = arith.constant 0 : i32
    %dma_wait3A_35 = arith.constant 0 : i32
    %dma_wait3A_36 = tpu.memref_slice %arg4[%dma_wait3A, %dma_wait3A_34, %dma_wait3A_35] : memref<13x16384x128xf32, #tpu.memory_space<hbm>> -> memref<1x128x32xf32, #tpu.memory_space<hbm>>
    %dma_wait3A_37 = tpu.memref_squeeze %dma_wait3A_36 : memref<1x128x32xf32, #tpu.memory_space<hbm>> -> memref<128x32xf32, #tpu.memory_space<hbm>>
    %dma_wait3A_38 = arith.constant 0 : i32
    %dma_wait3A_39 = arith.constant 0 : i32
    %dma_wait3A_40 = tpu.memref_slice %arg4[%dma_wait3A, %dma_wait3A_38, %dma_wait3A_39] : memref<13x16384x128xf32, #tpu.memory_space<hbm>> -> memref<1x128x32xf32, #tpu.memory_space<hbm>>
    %dma_wait3A_41 = tpu.memref_squeeze %dma_wait3A_40 : memref<1x128x32xf32, #tpu.memory_space<hbm>> -> memref<128x32xf32, #tpu.memory_space<hbm>>
    tpu.wait_dma2 semaphore(%arg26 : memref<!tpu.dma_semaphore, #tpu.memory_space<semaphore_mem>>) src(%arg10 : memref<128x32xf32, #tpu.memory_space<vmem>>) dst(%dma_wait3A_41 : memref<128x32xf32, #tpu.memory_space<hbm>>)
    %dma_wait3A_42 = arith.constant 0 : i32
    %dma_wait3A_43 = arith.constant 0 : i32
    %dma_wait3A_44 = arith.constant 0 : i32
    %dma_wait3A_45 = tpu.memref_slice %arg4[%dma_wait3A_42, %dma_wait3A_43, %dma_wait3A_44] : memref<13x16384x128xf32, #tpu.memory_space<hbm>> -> memref<1x128x32xf32, #tpu.memory_space<hbm>>
    %dma_wait3A_46 = tpu.memref_squeeze %dma_wait3A_45 : memref<1x128x32xf32, #tpu.memory_space<hbm>> -> memref<128x32xf32, #tpu.memory_space<hbm>>
    %dma_wait3A_47 = arith.constant 0 : i32
    %dma_wait3A_48 = arith.constant 0 : i32
    %dma_wait3A_49 = tpu.memref_slice %arg4[%dma_wait3A_42, %dma_wait3A_47, %dma_wait3A_48] : memref<13x16384x128xf32, #tpu.memory_space<hbm>> -> memref<1x128x32xf32, #tpu.memory_space<hbm>>
    %dma_wait3A_50 = tpu.memref_squeeze %dma_wait3A_49 : memref<1x128x32xf32, #tpu.memory_space<hbm>> -> memref<128x32xf32, #tpu.memory_space<hbm>>
    tpu.wait_dma2 semaphore(%arg27 : memref<!tpu.dma_semaphore, #tpu.memory_space<semaphore_mem>>) src(%arg11 : memref<128x32xf32, #tpu.memory_space<vmem>>) dst(%dma_wait3A_50 : memref<128x32xf32, #tpu.memory_space<hbm>>)
    %dma_wait3A_51 = arith.constant 0 : i32
    %dma_wait3A_52 = arith.constant 0 : i32
    %dma_wait3A_53 = arith.constant 0 : i32
    %dma_wait3A_54 = tpu.memref_slice %arg4[%dma_wait3A_51, %dma_wait3A_52, %dma_wait3A_53] : memref<13x16384x128xf32, #tpu.memory_space<hbm>> -> memref<1x128x32xf32, #tpu.memory_space<hbm>>
    %dma_wait3A_55 = tpu.memref_squeeze %dma_wait3A_54 : memref<1x128x32xf32, #tpu.memory_space<hbm>> -> memref<128x32xf32, #tpu.memory_space<hbm>>
    %dma_wait3A_56 = arith.constant 0 : i32
    %dma_wait3A_57 = arith.constant 0 : i32
    %dma_wait3A_58 = tpu.memref_slice %arg4[%dma_wait3A_51, %dma_wait3A_56, %dma_wait3A_57] : memref<13x16384x128xf32, #tpu.memory_space<hbm>> -> memref<1x128x32xf32, #tpu.memory_space<hbm>>
    %dma_wait3A_59 = tpu.memref_squeeze %dma_wait3A_58 : memref<1x128x32xf32, #tpu.memory_space<hbm>> -> memref<128x32xf32, #tpu.memory_space<hbm>>
    tpu.wait_dma2 semaphore(%arg28 : memref<!tpu.dma_semaphore, #tpu.memory_space<semaphore_mem>>) src(%arg12 : memref<128x32xf32, #tpu.memory_space<vmem>>) dst(%dma_wait3A_59 : memref<128x32xf32, #tpu.memory_space<hbm>>)
    %dma_wait3A_60 = arith.constant 0 : i32
    %dma_wait3A_61 = arith.constant 0 : i32
    %dma_wait3A_62 = arith.constant 0 : i32
    %dma_wait3A_63 = tpu.memref_slice %arg4[%dma_wait3A_60, %dma_wait3A_61, %dma_wait3A_62] : memref<13x16384x128xf32, #tpu.memory_space<hbm>> -> memref<1x128x32xf32, #tpu.memory_space<hbm>>
    %dma_wait3A_64 = tpu.memref_squeeze %dma_wait3A_63 : memref<1x128x32xf32, #tpu.memory_space<hbm>> -> memref<128x32xf32, #tpu.memory_space<hbm>>
    %dma_wait3A_65 = arith.constant 0 : i32
    %dma_wait3A_66 = arith.constant 0 : i32
    %dma_wait3A_67 = tpu.memref_slice %arg4[%dma_wait3A_60, %dma_wait3A_65, %dma_wait3A_66] : memref<13x16384x128xf32, #tpu.memory_space<hbm>> -> memref<1x128x32xf32, #tpu.memory_space<hbm>>
    %dma_wait3A_68 = tpu.memref_squeeze %dma_wait3A_67 : memref<1x128x32xf32, #tpu.memory_space<hbm>> -> memref<128x32xf32, #tpu.memory_space<hbm>>
    tpu.wait_dma2 semaphore(%arg29 : memref<!tpu.dma_semaphore, #tpu.memory_space<semaphore_mem>>) src(%arg13 : memref<128x32xf32, #tpu.memory_space<vmem>>) dst(%dma_wait3A_68 : memref<128x32xf32, #tpu.memory_space<hbm>>)
    return
  }
}

module attributes {stable_mosaic.version = 14 : i64} {
  func.func @_t1_body(%arg0: i32, %arg1: memref<32x32768xf32, #tpu.memory_space<vmem>>, %arg2: memref<8192x128xf32, #tpu.memory_space<vmem>>) attributes {dimension_semantics = [#tpu.dimension_semantics<arbitrary>], iteration_bounds = array<i64: 31>, scalar_prefetch = 0 : i64, scratch_operands = 0 : i64, tpu.core_type = #tpu.core_type<tc>, window_params = [{transform_indices = @transform_0, window_bounds = array<i64: 32, 32768>}, {transform_indices = @transform_1, window_bounds = array<i64: 8192, 128>}]} {
    %get3A = arith.constant 0 : index
    %get3A_0 = arith.constant 0 : index
    %get3A_1 = vector.load %arg1[%get3A, %get3A_0] : memref<32x32768xf32, #tpu.memory_space<vmem>>, vector<32x32768xf32>
    %transpose3A = tpu.transpose %get3A_1, [1, 0] : vector<32x32768xf32> -> vector<32768x32xf32>
    %slice3A = vector.extract_strided_slice %transpose3A {offsets = [0, 0], sizes = [8192, 32], strides = [1, 1]} : vector<32768x32xf32> to vector<8192x32xf32>
    %slice3A_2 = vector.extract_strided_slice %transpose3A {offsets = [8192, 0], sizes = [8192, 32], strides = [1, 1]} : vector<32768x32xf32> to vector<8192x32xf32>
    %slice3A_3 = vector.extract_strided_slice %transpose3A {offsets = [16384, 0], sizes = [8192, 32], strides = [1, 1]} : vector<32768x32xf32> to vector<8192x32xf32>
    %slice3A_4 = vector.extract_strided_slice %transpose3A {offsets = [24576, 0], sizes = [8192, 32], strides = [1, 1]} : vector<32768x32xf32> to vector<8192x32xf32>
    %concatenate3A = tpu.concatenate %slice3A, %slice3A_2, %slice3A_3, %slice3A_4 in 1 : vector<8192x32xf32>, vector<8192x32xf32>, vector<8192x32xf32>, vector<8192x32xf32> -> vector<8192x128xf32>
    %swap3A = arith.constant 0 : index
    %swap3A_5 = arith.constant 0 : index
    %swap3A_6 = vector.load %arg2[%swap3A, %swap3A_5] : memref<8192x128xf32, #tpu.memory_space<vmem>>, vector<8192x128xf32>
    tpu.vector_store %arg2[%swap3A, %swap3A_5], %concatenate3A {strides = array<i32>} : memref<8192x128xf32, #tpu.memory_space<vmem>>, vector<8192x128xf32>,
    return
  }
  func.func @transform_0(%arg0: i32) -> (i32, i32) {
    %c0_i32 = arith.constant 0 : i32
    %c0_i32_0 = arith.constant 0 : i32
    return %c0_i32, %arg0 : i32, i32
  }
  func.func @transform_1(%arg0: i32) -> (i32, i32) {
    %c0_i32 = arith.constant 0 : i32
    %c0_i32_0 = arith.constant 0 : i32
    return %arg0, %c0_i32 : i32, i32
  }
}

module attributes {stable_mosaic.version = 14 : i64} {
  func.func @_t2_body(%arg0: i32, %arg1: memref<13x512x128xf32, #tpu.memory_space<vmem>>, %arg2: memref<1600x512xf32, #tpu.memory_space<vmem>>) attributes {dimension_semantics = [#tpu.dimension_semantics<arbitrary>], iteration_bounds = array<i64: 32>, scalar_prefetch = 0 : i64, scratch_operands = 0 : i64, tpu.core_type = #tpu.core_type<tc>, window_params = [{transform_indices = @transform_0, window_bounds = array<i64: 13, 512, 128>}, {transform_indices = @transform_1, window_bounds = array<i64: 1600, 512>}]} {
    %get3A = arith.constant 0 : index
    %get3A_0 = arith.constant 0 : index
    %get3A_1 = arith.constant 0 : index
    %get3A_2 = vector.load %arg1[%get3A, %get3A_0, %get3A_1] : memref<13x512x128xf32, #tpu.memory_space<vmem>>, vector<13x512x128xf32>
    %slice3A = vector.extract_strided_slice %get3A_2 {offsets = [0, 0, 0], sizes = [1, 512, 128], strides = [1, 1, 1]} : vector<13x512x128xf32> to vector<1x512x128xf32>
    %squeeze3A = vector.shape_cast %slice3A : vector<1x512x128xf32> to vector<512x128xf32>
    %transpose3A = tpu.transpose %squeeze3A, [1, 0] : vector<512x128xf32> -> vector<128x512xf32>
    %swap3A = arith.constant 0 : index
    %swap3A_3 = arith.constant 0 : index
    %swap3A_4 = vector.load %arg2[%swap3A, %swap3A_3] : memref<1600x512xf32, #tpu.memory_space<vmem>>, vector<128x512xf32>
    tpu.vector_store %arg2[%swap3A, %swap3A_3], %transpose3A {strides = array<i32>} : memref<1600x512xf32, #tpu.memory_space<vmem>>, vector<128x512xf32>,
    %slice3A_5 = vector.extract_strided_slice %get3A_2 {offsets = [1, 0, 0], sizes = [1, 512, 128], strides = [1, 1, 1]} : vector<13x512x128xf32> to vector<1x512x128xf32>
    %squeeze3A_6 = vector.shape_cast %slice3A_5 : vector<1x512x128xf32> to vector<512x128xf32>
    %transpose3A_7 = tpu.transpose %squeeze3A_6, [1, 0] : vector<512x128xf32> -> vector<128x512xf32>
    %swap3A_8 = arith.constant 128 : index
    %swap3A_9 = arith.constant 0 : index
    %swap3A_10 = vector.load %arg2[%swap3A_8, %swap3A_9] : memref<1600x512xf32, #tpu.memory_space<vmem>>, vector<128x512xf32>
    tpu.vector_store %arg2[%swap3A_8, %swap3A_9], %transpose3A_7 {strides = array<i32>} : memref<1600x512xf32, #tpu.memory_space<vmem>>, vector<128x512xf32>,
    %slice3A_11 = vector.extract_strided_slice %get3A_2 {offsets = [2, 0, 0], sizes = [1, 512, 128], strides = [1, 1, 1]} : vector<13x512x128xf32> to vector<1x512x128xf32>
    %squeeze3A_12 = vector.shape_cast %slice3A_11 : vector<1x512x128xf32> to vector<512x128xf32>
    %transpose3A_13 = tpu.transpose %squeeze3A_12, [1, 0] : vector<512x128xf32> -> vector<128x512xf32>
    %swap3A_14 = arith.constant 256 : index
    %swap3A_15 = arith.constant 0 : index
    %swap3A_16 = vector.load %arg2[%swap3A_14, %swap3A_15] : memref<1600x512xf32, #tpu.memory_space<vmem>>, vector<128x512xf32>
    tpu.vector_store %arg2[%swap3A_14, %swap3A_15], %transpose3A_13 {strides = array<i32>} : memref<1600x512xf32, #tpu.memory_space<vmem>>, vector<128x512xf32>,
    %slice3A_17 = vector.extract_strided_slice %get3A_2 {offsets = [3, 0, 0], sizes = [1, 512, 128], strides = [1, 1, 1]} : vector<13x512x128xf32> to vector<1x512x128xf32>
    %squeeze3A_18 = vector.shape_cast %slice3A_17 : vector<1x512x128xf32> to vector<512x128xf32>
    %transpose3A_19 = tpu.transpose %squeeze3A_18, [1, 0] : vector<512x128xf32> -> vector<128x512xf32>
    %swap3A_20 = arith.constant 384 : index
    %swap3A_21 = arith.constant 0 : index
    %swap3A_22 = vector.load %arg2[%swap3A_20, %swap3A_21] : memref<1600x512xf32, #tpu.memory_space<vmem>>, vector<128x512xf32>
    tpu.vector_store %arg2[%swap3A_20, %swap3A_21], %transpose3A_19 {strides = array<i32>} : memref<1600x512xf32, #tpu.memory_space<vmem>>, vector<128x512xf32>,
    %slice3A_23 = vector.extract_strided_slice %get3A_2 {offsets = [4, 0, 0], sizes = [1, 512, 128], strides = [1, 1, 1]} : vector<13x512x128xf32> to vector<1x512x128xf32>
    %squeeze3A_24 = vector.shape_cast %slice3A_23 : vector<1x512x128xf32> to vector<512x128xf32>
    %transpose3A_25 = tpu.transpose %squeeze3A_24, [1, 0] : vector<512x128xf32> -> vector<128x512xf32>
    %swap3A_26 = arith.constant 512 : index
    %swap3A_27 = arith.constant 0 : index
    %swap3A_28 = vector.load %arg2[%swap3A_26, %swap3A_27] : memref<1600x512xf32, #tpu.memory_space<vmem>>, vector<128x512xf32>
    tpu.vector_store %arg2[%swap3A_26, %swap3A_27], %transpose3A_25 {strides = array<i32>} : memref<1600x512xf32, #tpu.memory_space<vmem>>, vector<128x512xf32>,
    %slice3A_29 = vector.extract_strided_slice %get3A_2 {offsets = [5, 0, 0], sizes = [1, 512, 128], strides = [1, 1, 1]} : vector<13x512x128xf32> to vector<1x512x128xf32>
    %squeeze3A_30 = vector.shape_cast %slice3A_29 : vector<1x512x128xf32> to vector<512x128xf32>
    %transpose3A_31 = tpu.transpose %squeeze3A_30, [1, 0] : vector<512x128xf32> -> vector<128x512xf32>
    %swap3A_32 = arith.constant 640 : index
    %swap3A_33 = arith.constant 0 : index
    %swap3A_34 = vector.load %arg2[%swap3A_32, %swap3A_33] : memref<1600x512xf32, #tpu.memory_space<vmem>>, vector<128x512xf32>
    tpu.vector_store %arg2[%swap3A_32, %swap3A_33], %transpose3A_31 {strides = array<i32>} : memref<1600x512xf32, #tpu.memory_space<vmem>>, vector<128x512xf32>,
    %slice3A_35 = vector.extract_strided_slice %get3A_2 {offsets = [6, 0, 0], sizes = [1, 512, 128], strides = [1, 1, 1]} : vector<13x512x128xf32> to vector<1x512x128xf32>
    %squeeze3A_36 = vector.shape_cast %slice3A_35 : vector<1x512x128xf32> to vector<512x128xf32>
    %transpose3A_37 = tpu.transpose %squeeze3A_36, [1, 0] : vector<512x128xf32> -> vector<128x512xf32>
    %swap3A_38 = arith.constant 768 : index
    %swap3A_39 = arith.constant 0 : index
    %swap3A_40 = vector.load %arg2[%swap3A_38, %swap3A_39] : memref<1600x512xf32, #tpu.memory_space<vmem>>, vector<128x512xf32>
    tpu.vector_store %arg2[%swap3A_38, %swap3A_39], %transpose3A_37 {strides = array<i32>} : memref<1600x512xf32, #tpu.memory_space<vmem>>, vector<128x512xf32>,
    %slice3A_41 = vector.extract_strided_slice %get3A_2 {offsets = [7, 0, 0], sizes = [1, 512, 128], strides = [1, 1, 1]} : vector<13x512x128xf32> to vector<1x512x128xf32>
    %squeeze3A_42 = vector.shape_cast %slice3A_41 : vector<1x512x128xf32> to vector<512x128xf32>
    %transpose3A_43 = tpu.transpose %squeeze3A_42, [1, 0] : vector<512x128xf32> -> vector<128x512xf32>
    %swap3A_44 = arith.constant 896 : index
    %swap3A_45 = arith.constant 0 : index
    %swap3A_46 = vector.load %arg2[%swap3A_44, %swap3A_45] : memref<1600x512xf32, #tpu.memory_space<vmem>>, vector<128x512xf32>
    tpu.vector_store %arg2[%swap3A_44, %swap3A_45], %transpose3A_43 {strides = array<i32>} : memref<1600x512xf32, #tpu.memory_space<vmem>>, vector<128x512xf32>,
    %slice3A_47 = vector.extract_strided_slice %get3A_2 {offsets = [8, 0, 0], sizes = [1, 512, 128], strides = [1, 1, 1]} : vector<13x512x128xf32> to vector<1x512x128xf32>
    %squeeze3A_48 = vector.shape_cast %slice3A_47 : vector<1x512x128xf32> to vector<512x128xf32>
    %transpose3A_49 = tpu.transpose %squeeze3A_48, [1, 0] : vector<512x128xf32> -> vector<128x512xf32>
    %swap3A_50 = arith.constant 1024 : index
    %swap3A_51 = arith.constant 0 : index
    %swap3A_52 = vector.load %arg2[%swap3A_50, %swap3A_51] : memref<1600x512xf32, #tpu.memory_space<vmem>>, vector<128x512xf32>
    tpu.vector_store %arg2[%swap3A_50, %swap3A_51], %transpose3A_49 {strides = array<i32>} : memref<1600x512xf32, #tpu.memory_space<vmem>>, vector<128x512xf32>,
    %slice3A_53 = vector.extract_strided_slice %get3A_2 {offsets = [9, 0, 0], sizes = [1, 512, 128], strides = [1, 1, 1]} : vector<13x512x128xf32> to vector<1x512x128xf32>
    %squeeze3A_54 = vector.shape_cast %slice3A_53 : vector<1x512x128xf32> to vector<512x128xf32>
    %transpose3A_55 = tpu.transpose %squeeze3A_54, [1, 0] : vector<512x128xf32> -> vector<128x512xf32>
    %swap3A_56 = arith.constant 1152 : index
    %swap3A_57 = arith.constant 0 : index
    %swap3A_58 = vector.load %arg2[%swap3A_56, %swap3A_57] : memref<1600x512xf32, #tpu.memory_space<vmem>>, vector<128x512xf32>
    tpu.vector_store %arg2[%swap3A_56, %swap3A_57], %transpose3A_55 {strides = array<i32>} : memref<1600x512xf32, #tpu.memory_space<vmem>>, vector<128x512xf32>,
    %slice3A_59 = vector.extract_strided_slice %get3A_2 {offsets = [10, 0, 0], sizes = [1, 512, 128], strides = [1, 1, 1]} : vector<13x512x128xf32> to vector<1x512x128xf32>
    %squeeze3A_60 = vector.shape_cast %slice3A_59 : vector<1x512x128xf32> to vector<512x128xf32>
    %transpose3A_61 = tpu.transpose %squeeze3A_60, [1, 0] : vector<512x128xf32> -> vector<128x512xf32>
    %swap3A_62 = arith.constant 1280 : index
    %swap3A_63 = arith.constant 0 : index
    %swap3A_64 = vector.load %arg2[%swap3A_62, %swap3A_63] : memref<1600x512xf32, #tpu.memory_space<vmem>>, vector<128x512xf32>
    tpu.vector_store %arg2[%swap3A_62, %swap3A_63], %transpose3A_61 {strides = array<i32>} : memref<1600x512xf32, #tpu.memory_space<vmem>>, vector<128x512xf32>,
    %slice3A_65 = vector.extract_strided_slice %get3A_2 {offsets = [11, 0, 0], sizes = [1, 512, 128], strides = [1, 1, 1]} : vector<13x512x128xf32> to vector<1x512x128xf32>
    %squeeze3A_66 = vector.shape_cast %slice3A_65 : vector<1x512x128xf32> to vector<512x128xf32>
    %transpose3A_67 = tpu.transpose %squeeze3A_66, [1, 0] : vector<512x128xf32> -> vector<128x512xf32>
    %swap3A_68 = arith.constant 1408 : index
    %swap3A_69 = arith.constant 0 : index
    %swap3A_70 = vector.load %arg2[%swap3A_68, %swap3A_69] : memref<1600x512xf32, #tpu.memory_space<vmem>>, vector<128x512xf32>
    tpu.vector_store %arg2[%swap3A_68, %swap3A_69], %transpose3A_67 {strides = array<i32>} : memref<1600x512xf32, #tpu.memory_space<vmem>>, vector<128x512xf32>,
    %slice3A_71 = vector.extract_strided_slice %get3A_2 {offsets = [12, 0, 0], sizes = [1, 512, 128], strides = [1, 1, 1]} : vector<13x512x128xf32> to vector<1x512x128xf32>
    %squeeze3A_72 = vector.shape_cast %slice3A_71 : vector<1x512x128xf32> to vector<512x128xf32>
    %transpose3A_73 = tpu.transpose %squeeze3A_72, [1, 0] : vector<512x128xf32> -> vector<128x512xf32>
    %slice3A_74 = vector.extract_strided_slice %transpose3A_73 {offsets = [0, 0], sizes = [64, 512], strides = [1, 1]} : vector<128x512xf32> to vector<64x512xf32>
    %swap3A_75 = arith.constant 1536 : index
    %swap3A_76 = arith.constant 0 : index
    %swap3A_77 = vector.load %arg2[%swap3A_75, %swap3A_76] : memref<1600x512xf32, #tpu.memory_space<vmem>>, vector<64x512xf32>
    tpu.vector_store %arg2[%swap3A_75, %swap3A_76], %slice3A_74 {strides = array<i32>} : memref<1600x512xf32, #tpu.memory_space<vmem>>, vector<64x512xf32>,
    return
  }
  func.func @transform_0(%arg0: i32) -> (i32, i32, i32) {
    %c0_i32 = arith.constant 0 : i32
    %c0_i32_0 = arith.constant 0 : i32
    %c0_i32_1 = arith.constant 0 : i32
    return %c0_i32, %arg0, %c0_i32_0 : i32, i32, i32
  }
  func.func @transform_1(%arg0: i32) -> (i32, i32) {
    %c0_i32 = arith.constant 0 : i32
    %c0_i32_0 = arith.constant 0 : i32
    return %c0_i32, %arg0 : i32, i32
  }
}

</mosaic_0001>

<sc_bundles>
// kernel: kernel.5.cloned.1.call-start
scs
__scs_entry_jumppad:
0x0: {  	(pc) =	sbr.rel $0x88, $3  }
0x1: {  	(tag) =	ssettag $0x0;
	lr =	simm.s32 $0x1  }
0x2: {  	[smem:$0x3F9F] =	sst lr;
	_ =	strace $0xD0000000  }
0x3: {  	_ = 	snop  }
0x4: {  	_ = 	snop  }
0x5: {  	_ = 	snop  }
0x6: {  	_ = 	snop  }
0x7: {  	_ = 	snop  }
__scs_overlays_trampoline_lowered:
0x8: {  	[smem:$0x3FAE] =	sst s0  }
0x9: {  	[smem:$0x3FAF] =	sst s1  }
0xa: {  	[smem:$0x3FB0] =	sst s2  }
0xb: {  	[smem:$0x3FB1] =	sst s3  }
0xc: {  	[smem:$0x3FB2] =	sst s4  }
0xd: {  	[smem:$0x3FB3] =	sst s5  }
0xe: {  	[smem:$0x3FB4] =	sst s6  }
0xf: {  	[smem:$0x3FB5] =	sst s7  }
0x10: {  	[smem:$0x3FB6] =	sst s8  }
0x11: {  	[smem:$0x3FB7] =	sst s9;
	s0 =	simm.s32 @!p0 $0x0  }
0x12: {  	s1 =	sld [smem:$0x3F9D];
	s0 =	simm.s32 @p0 $0x1  }
0x13: {  	[smem:$0x3FB8] =	sst s0;
	s0 =	simm.s32 @!p1 $0x0  }
0x14: {  	s2 =	sld [smem:$0x3F9C];
	s0 =	simm.s32 @p1 $0x1  }
0x15: {  	[smem:$0x3FB9] =	sst s0;
	s0 =	simm.s32 @!p2 $0x0  }
0x16: {  	s3 =	sld [smem:$0x3FDB];
	s0 =	simm.s32 @p2 $0x1  }
0x17: {  	s4 =	simm.s32 $0x1BF5;
	[smem:$0x3FBB] =	sst s0  }
0x18: {  	s0 =	sld [smem:$0x3F9E];
	_ =	swait.ge [sflag:s4], $0x0  }
0x19: {  	s7 =	sld [smem:$0x3F9F]  }
0x1a: {  	s8 =	sadd.s32 $0xFFFFE003, lr  }
0x1b: {  	s9 =	sadd.s32 $0xFFFFFEF7, lr;
	s5 =	simm.s32 $0xFFFFFFFF;
	p2 =	slt.u32 s8, $0xFFFFF086  }
0x1c: {  	p1 =	slt.u32 s9, $0xF7A;
	s5 =	simm.s32 @!p2 $0x0  }
0x1d: {  	s5 =	simm.s32 @p1 $0x1;
	p0 =	seq.s32 s7, s2  }
0x1e: {  	s7 =	smul.u32 @!p0 $0xF7A, s2;
	p2 =	seq.s32 @!p0 s5, $0x0  }
0x1f: {  	s9 =	smul.u32 $0xF7A, s1;
	s8 =	simm.s32 @!p0 $0x1BF5;
	p2 =	por !p2, p0  }
0x20: {  	[sflag:s8] =	ssyncset.s32 @!p0 $0xFFFFF086;
	s6 =	sadd.s32 @!p0 s3, s7;
	s7 =	simm.s32 @!p0 $0x108  }
0x21: {  	s3 =	sadd.s32 s3, s9;
	s6 =	sadd.s32 @!p0 $0x88, s6;
	s7 =	simm.s32 @p2 $0x1082  }
0x22: {  	[simem:s7], [sflag:s8] =	dma.local @!p0 [hbm:s6], $0xF7A  }
0x23: {  	s9 =	sor.u32 $0xD0000000, s2;
	s6 =	simm.s32 $0x108;
	_ =	swait.ge @!p0 [sflag:s8], $0x0  }
0x24: {  	s3 =	sadd.s32 $0x88, s3;
	s6 =	simm.s32 @!p1 $0x1082;
	[sflag:s4] =	ssyncset.s32 $0xFFFFF086  }
0x25: {  	[simem:s6], [sflag:s4] =	dma.local [hbm:s3], $0xF7A  }
0x26: {  	[smem:$0x3F9F] =	sst s1;
	(tag) =	ssettag s2;
	_ =	strace s9  }
0x27: {  	s1 =	sld [smem:$0x3FAF]  }
0x28: {  	s2 =	sld [smem:$0x3FB0]  }
0x29: {  	s4 =	sld [smem:$0x3FB2]  }
0x2a: {  	p0 =	seq.s32 s5, $0x0;
	s5 =	sld [smem:$0x3FB3]  }
0x2b: {  	s6 =	sld [smem:$0x3FB4]  }
0x2c: {  	s7 =	sld [smem:$0x3FB5]  }
0x2d: {  	s3 =	simm.s32 $0x108;
	s8 =	sld [smem:$0x3FB6]  }
0x2e: {  	s3 =	simm.s32 @!p0 $0x1082;
	s9 =	sld [smem:$0x3FB7]  }
0x2f: {  	lr =	sadd.s32 s0, s3;
	s0 =	sld [smem:$0x3FAE]  }
0x30: {  	s3 =	sld [smem:$0x3FB1]  }
0x31: {  	[smem:$0x3FBA] =	sst s10  }
0x32: {  	s10 =	sld [smem:$0x3FB8];
	_ =	sdelay $0x3  }
0x33: {  	p0 =	seq.s32 s10, $0x1;
	s10 =	sld [smem:$0x3FBA];
	_ =	sdelay $0x3  }
0x34: {  	[smem:$0x3FBA] =	sst s10  }
0x35: {  	s10 =	sld [smem:$0x3FB9];
	_ =	sdelay $0x3  }
0x36: {  	p1 =	seq.s32 s10, $0x1;
	s10 =	sld [smem:$0x3FBA];
	_ =	sdelay $0x3  }
0x37: {  	[smem:$0x3FBA] =	sst s10  }
0x38: {  	s10 =	sld [smem:$0x3FBB]  }
0x39: {  	_ = 	snop;
	(pc) =	sbr.ind lr, $3  }
0x3a: {  	_ = 	snop  }
0x3b: {  	_ = 	snop  }
0x3c: {  	p2 =	seq.s32 s10, $0x1;
	s10 =	sld [smem:$0x3FBA]  }
0x3d: {  	_ =	shalt  }
0x3e: {  	_ =	shalt  }
0x3f: {  	_ =	shalt  }
0x40: {  	_ =	shalt  }
0x41: {  	_ =	shalt  }
0x42: {  	_ =	shalt  }
0x43: {  	_ =	shalt  }
0x44: {  	_ =	shalt  }
0x45: {  	_ =	shalt  }
0x46: {  	_ =	shalt  }
0x47: {  	_ =	shalt  }
0x48: {  	_ =	shalt  }
0x49: {  	_ =	shalt  }
0x4a: {  	_ =	shalt  }
0x4b: {  	_ =	shalt  }
0x4c: {  	_ =	shalt  }
0x4d: {  	_ =	shalt  }
0x4e: {  	_ =	shalt  }
0x4f: {  	_ =	shalt  }
0x50: {  	_ =	shalt  }
0x51: {  	_ =	shalt  }
0x52: {  	_ =	shalt  }
0x53: {  	_ =	shalt  }
0x54: {  	_ =	shalt  }
0x55: {  	_ =	shalt  }
0x56: {  	_ =	shalt  }
0x57: {  	_ =	shalt  }
0x58: {  	_ =	shalt  }
0x59: {  	_ =	shalt  }
0x5a: {  	_ =	shalt  }
0x5b: {  	_ =	shalt  }
0x5c: {  	_ =	shalt  }
0x5d: {  	_ =	shalt  }
0x5e: {  	_ =	shalt  }
0x5f: {  	_ =	shalt  }
0x60: {  	_ =	shalt  }
0x61: {  	_ =	shalt  }
0x62: {  	_ =	shalt  }
0x63: {  	_ =	shalt  }
0x64: {  	_ =	shalt  }
0x65: {  	_ =	shalt  }
0x66: {  	_ =	shalt  }
0x67: {  	_ =	shalt  }
0x68: {  	_ =	shalt  }
0x69: {  	_ =	shalt  }
0x6a: {  	_ =	shalt  }
0x6b: {  	_ =	shalt  }
0x6c: {  	_ =	shalt  }
0x6d: {  	_ =	shalt  }
0x6e: {  	_ =	shalt  }
0x6f: {  	_ =	shalt  }
0x70: {  	_ =	shalt  }
0x71: {  	_ =	shalt  }
0x72: {  	_ =	shalt  }
0x73: {  	_ =	shalt  }
0x74: {  	_ =	shalt  }
0x75: {  	_ =	shalt  }
0x76: {  	_ =	shalt  }
0x77: {  	_ =	shalt  }
0x78: {  	_ =	shalt  }
0x79: {  	_ =	shalt  }
0x7a: {  	_ =	shalt  }
0x7b: {  	_ =	shalt  }
0x7c: {  	_ =	shalt  }
0x7d: {  	_ =	shalt  }
0x7e: {  	_ =	shalt  }
0x7f: {  	_ =	shalt  }
0x80: {  	_ =	shalt  }
0x81: {  	_ =	shalt  }
0x82: {  	_ =	shalt  }
0x83: {  	_ =	shalt  }
0x84: {  	_ =	shalt  }
0x85: {  	_ =	shalt  }
0x86: {  	_ =	shalt  }
0x87: {  	_ =	shalt  }
.Lfunc_end0:
.L_simem_size_0:
called_computation_lowered:
.L_overlay_start_0:
0x88: {  	s2 =	sld [smem:$0x3FD9]  }
0x89: {  	s3 =	sld [smem:$0x3FFE];
	_ =	sdelay $0x1  }
0x8a: {  	s1 =	srdreg.scid  }
0x8b: {  	s0 =	sand.u32 $0x1, s1  }
0x8c: {  	s17 =	sshll.u32 s0, $0xA;
	s2 =	sadd.s32 s3, s2  }
0x8d: {  	s2 =	sadd.s32 s2, s17  }
0x8e: {  	[smem:$0x3FC6] =	sst s2  }
0x8f: {  	_ = 	snop  }
0x90: {  	s2 =	sld [smem:$0x3FD0];
	(tm) =	ssettm $0x1  }
0x91: {  	s18 =	sld [smem:$0x3FFB];
	_ =	sdelay $0x3  }
0x92: {  	_ =	strace s18  }
0x93: {  	s3 =	sld [smem:$0x3FFC];
	_ =	sdelay $0x3  }
0x94: {  	_ =	strace s3  }
0x95: {  	s3 =	sld [smem:$0x3FFD];
	_ =	sdelay $0x3  }
0x96: {  	_ =	strace s3  }
0x97: {  	_ =	strace $0x8FFFFFFF  }
0x98: {  	s19 =	sld [smem:$0x3FDB];
	_ =	sdelay $0x1  }
0x99: {  	s4 =	simm.s32 $_scs_section_size  }
0x9a: {  	s5 =	simm.s32 $_size__tile_overlayer_lowered;
	s6 =	simm.s32 $_tile_overlayer_lowered  }
0x9b: {  	s22 =	simm.s32 $0x1BFF;
	s21 =	sshll.u32 s6, $0x1;
	s3 =	sadd.s32 s4, s19  }
0x9c: {  	s7 =	simm.s32 $0x0;
	s20 =	sshll.u32 s5, $0x1;
	s5 =	sadd.s32 s21, s3  }
0x9d: {  	[timem:s7], [sflag:s22] =	dma.local [hbm:s5], s20  }
0x9e: {  	_ =	swait.ge [sflag:s22], s20  }
0x9f: {  	s4 =	ssub.s32 $0x0, s20;
	[sflag:s22] =	ssyncset.done $0x0  }
0xa0: {  	[sflag:s22] =	ssyncadd.s32 s4;
	_ =	sdelay $0x1  }
0xa1: {  	s23 =	simm.s32 $0x1B8B  }
0xa2: {  	_ =	swait.ge [sflag:s23], $0x1  }
0xa3: {  	[sflag:s23] =	ssyncset.done $0x0  }
0xa4: {  	s25 =	simm.s32 $0x1B8E;
	s24 =	sld [smem:$0x3FFE];
	[sflag:s23] =	ssyncadd.s32 $0xFFFFFFFF  }
0xa5: {  	s26 =	simm.s32 $execute0_lowered;
	[smem:$0x3FD2] =	sst s25  }
0xa6: {  	s5 =	sshll.u32 s26, $0x1;
	_ =	strace $0x80000046;
	[dreg:$0x1] =	wrdreg $0xFFFFFFFF  }
0xa7: {  	s28 =	simm.s32 $_size_execute0_lowered;
	s3 =	sadd.s32 s3, s5;
	[dreg:$0x0] =	wrdreg $0x0  }
0xa8: {  	s5 =	sshll.u32 s28, $0x1;
	[dreg:$0x2] =	wrdreg s3  }
0xa9: {  	[dreg:$0x3] =	wrdreg s5  }
0xaa: {  	[dreg:$0x4] =	wrdreg $0xC0  }
0xab: {  	_ =	task [dreg:s7], $0x5FFFF  }
0xac: {  	[dreg:$0x1] =	wrdreg $0xFFFFFFFF  }
0xad: {  	[dreg:$0x0] =	wrdreg $0x60  }
0xae: {  	[dreg:$0x2] =	wrdreg s2  }
0xaf: {  	[dreg:$0x3] =	wrdreg s24  }
0xb0: {  	[dreg:$0x4] =	wrdreg $0x9  }
0xb1: {  	_ =	task.clear_ibuf [dreg:s7], $0x5FFFF;
	_ =	strace $0x90000046  }
0xb2: {  	s29 =	simm.s32 $0x9;
	_ =	strace $0x80000048  }
0xb3: {  	_ =	swait.ge [sflag:s29], $0x1  }
0xb4: {  	[sflag:s29] =	ssyncadd.s32 $0xFFFFFFFF  }
0xb5: {  	_ =	strace $0x90000048  }
0xb6: {  	_ =	sfence  }
0xb7: {  	s30 =	sld [smem:$0x0];
	_ =	sdelay $0x2  }
0xb8: {  	s31 =	sshll.u32 s1, $0xD;
	s1 =	sshrl.u32 s1, $0x2  }
0xb9: {  	s3 =	sand.u32 $0x4000, s31;
	s1 =	sadd.s32 s1, s30  }
0xba: {  	s0 =	sor.u32 s3, s0;
	s1 =	sshll.u32 s1, $0x11  }
0xbb: {  	s0 =	sor.u32 s1, s0  }
0xbc: {  	s0 =	sadd.s32 $0x8F2B, s0  }
0xbd: {  	[sflag:s0] =	ssyncadd.remote.s32 $0x1  }
0xbe: {  	_ =	sfence.sel $0xFFFF  }
0xbf: {  	[dreg:$0x0] =	wrdreg $0xFFFFFFFF;
	(pc) =	sbr.abs _section_cstart, $3  }
0xc0: {  	[dreg:$0x1] =	wrdreg $0xFFFFFFFF  }
0xc1: {  	_ =	task.clear_ibuf [dreg:s7], $0x2FFFF;
	_ =	strace $0x9FFFFFFF  }
0xc2: {  	(tm) =	ssettm $0x7FFFFFFF  }
0xc3: {  	_ =	shalt  }
tec
execute0_lowered:
.L_overlay_start_1:
0x0: {  	(tag) =	ssettag $0x1  }
0x1: {  	s0 =	rddreg [dreg:$0x0]  }
0x2: {  	s1 =	rddreg [dreg:$0x1];
	s3 =	simm.s32 $0x0  }
0x3: {  	s2 =	srdreg.scid;
	s21 =	stileid.u32;
	s14 =	simm.s32 $0x80  }
0x4: {  	s29 =	simm.s32 $0x4;
	s31 =	simm.s32 $0x5;
	s11 =	simm.s32 $0xA  }
0x5: {  	s12 =	simm.s32 $0x7;
	s17 =	simm.s32 $0xB;
	s19 =	simm.s32 $0x8  }
0x6: {  	s7 =	simm.s32 $0x0;
	s28 =	simm.s32 $0xB400;
	s30 =	simm.s32 $0xC400  }
0x7: {  	[smem:$0x7FF] =	sst s3;
	s2 =	sand.u32 $0x1, s2;
	s4 =	sshll.u32 s21, $0xA  }
0x8: {  	s3 =	sadd.s32 $0x400, s1;
	s21 =	simm.s32 $0xD400;
	s5 =	sshll.u32 s2, $0x9  }
0x9: {  	_ =	strace $0x80000047;
	s2 =	ssub.s32 $0x2, s2;
	s5 =	sor.u32 s5, s4  }
0xa: {  	s4 =	sadd.s32 $0x3E0400, s1;
	s22 =	sshrl.u32 s2, $0x1;
	s6 =	sshrl.u32 s5, $0x3  }
0xb: {  	s1 =	ssub.s32 s2, s22;
	s23 =	sshll.u32 s5, $0x4;
	s22 =	simm.s32 $0x20  }
0xc: {  	s2 =	simm.s32 $0xC;
	s0 =	sadd.s32 s0, s6;
	[dreg:$0x4] =	wrdreg s23  }
.Ltmp0:
0xd: {  	s24 =	sor.u32 $0x800, s23;
	[dreg:$0x3] =	wrdreg s0;
	(pc) =	sbr.rel .LBB2_1-.Ltmp0, $4  }
0xe: {  	s25 =	sor.u32 $0x1000, s23;
	s26 =	smax.u32 s1, $0x1;
	[dreg:$0x5] =	wrdreg s24  }
0xf: {  	s1 =	simm.s32 $0x6;
	[dreg:$0x6] =	wrdreg s25;
	s0 =	sor.u32 $0x1800, s23  }
0x10: {  	[dreg:$0x8] =	wrdreg s26;
	s23 =	simm.s32 $0x9400;
	s24 =	simm.s32 $0x2  }
0x11: {  	s26 =	simm.s32 $0x3;
	[dreg:$0x7] =	wrdreg s0;
	s0 =	simm.s32 $0x9  }
.LBB2_4:
0x12: {  	s5 =	simm.s32 $0xD  }
0x13: {  	_ =	swait.ge [sflag:s5], $0x1000  }
0x14: {  	[sflag:s5] =	ssyncset.done $0x0  }
0x15: {  	s20 =	simm.s32 $0xE;
	[sflag:s5] =	ssyncadd.s32 $0xFFFFF000  }
0x16: {  	_ =	swait.ge [sflag:s20], $0x1000  }
0x17: {  	[sflag:s20] =	ssyncset.done $0x0  }
0x18: {  	s23 =	simm.s32 $0xF;
	[sflag:s20] =	ssyncadd.s32 $0xFFFFF000  }
0x19: {  	_ =	swait.ge [sflag:s23], $0x1000  }
0x1a: {  	[sflag:s23] =	ssyncset.done $0x0  }
0x1b: {  	s6 =	simm.s32 $0x10;
	[sflag:s23] =	ssyncadd.s32 $0xFFFFF000  }
0x1c: {  	_ =	swait.ge [sflag:s6], $0x1000  }
0x1d: {  	s7 =	rddreg [dreg:$0x9]  }
0x1e: {  	s25 =	rddreg [dreg:$0x8];
	s7 =	sadd.s32 $0x1, s7  }
0x1f: {  	p0 =	sne.s32 s7, s25  }
.Ltmp1:
0x20: {  	_ = 	snop;
	(pc) =	sbr.rel @!p0 .LBB2_5-.Ltmp1, $3  }
0x21: {  	_ =	sdelay $0x1  }
0x22: {  	[sflag:s6] =	ssyncset.done $0x0  }
0x23: {  	s23 =	simm.s32 $0x9400;
	[sflag:s6] =	ssyncadd.s32 $0xFFFFF000  }
.LBB2_1:
0x24: {  	[dreg:$0x9] =	wrdreg s7  }
0x25: {  	s5 =	simm.s32 $0x0;
	s6 =	rddreg [dreg:$0x3]  }
0x26: {  	s10 =	simm.s32 $0x200;
	s8 =	simm.s32 $0x4000;
	s13 =	simm.s32 $0x11  }
0x27: {  	[tilespmem:s5], [sflag:$0x11] =	stream.strided.gather [hbm4b:s6+s10], $0x6400, s8, s10, $0x38;
	[tilespmem:$0xE400] =	vst v63  }
0x28: {  	_ =	swait.ge [sflag:s13], $0x6400  }
0x29: {  	[sflag:s13] =	ssyncset.done $0x0  }
0x2a: {  	s15 =	simm.s32 $0x6400;
	[sflag:s13] =	ssyncadd.s32 $0xFFFF9C00  }
0x2b: {  	[tilespmem:s15], [sflag:$0x1] =	stream.indirect.gather [hbm4b:s3+s14], $0x20, s5, s14, $0xb8;
	[tilespmem:$0xE400] =	vst v63  }
0x2c: {  	s16 =	simm.s32 $0x7400  }
0x2d: {  	[tilespmem:s16], [sflag:$0x2] =	stream.indirect.gather [hbm4b:s3+s14], $0x20, s14, s14, $0xb8;
	[tilespmem:$0xE400] =	vst v63  }
0x2e: {  	s18 =	simm.s32 $0x100;
	s20 =	simm.s32 $0x8400;
	s25 =	simm.s32 $0x180  }
0x2f: {  	[tilespmem:s20], [sflag:$0x3] =	stream.indirect.gather [hbm4b:s3+s14], $0x20, s18, s14, $0xb8;
	[tilespmem:$0xE400] =	vst v63  }
0x30: {  	s10 =	simm.s32 $0x0;
	s13 =	simm.s32 $0x0;
	s5 =	simm.s32 $0x0  }
0x31: {  	[tilespmem:s23], [sflag:$0x4] =	stream.indirect.gather [hbm4b:s3+s14], $0x20, s25, s14, $0xb8;
	[tilespmem:$0xE400] =	vst v63  }
.LBB2_2:
0x32: {  	s7 =	simm.s32 $0x1  }
0x33: {  	s16 =	sand.u32 $0x3C0000, s13;
	s18 =	sand.u32 $0x8, s5;
	_ =	swait.ge [sflag:s7], $0x1000  }
0x34: {  	s25 =	simm.s32 $0x6400;
	p0 =	seq.s32 s10, $0x0;
	s6 =	rddreg [dreg:$0x4]  }
0x35: {  	s15 =	sadd.s32 s4, s18;
	[sflag:s7] =	ssyncset.done $0x0;
	s6 =	sor.u32 s6, s16  }
0x36: {  	[sflag:s7] =	ssyncadd.s32 $0xFFFFF000;
	s7 =	simm.s32 @!p0 $0xD;
	s15 =	sadd.s32 s6, s15  }
0x37: {  	[hbm4b:s15+s22] =	stream.strided.scatter [tilespmem:s25], [sflag:$0x9], $0x1000, s14, s22, $0x38;
	[tilespmem:$0xE400] =	vst v63  }
0x38: {  	_ =	swait.ge @!p0 [sflag:s7], $0x1000  }
0x39: {  	s15 =	sshra.s32 s10, $0x2;
	[sflag:s7] =	ssyncset.done @!p0 $0x0  }
0x3a: {  	s25 =	simm.s32 $0xA400;
	s8 =	sadd.s32 $0x200, s15;
	[sflag:s7] =	ssyncadd.s32 @!p0 $0xFFFFF000  }
0x3b: {  	[tilespmem:s25], [sflag:$0x5] =	stream.indirect.gather [hbm4b:s3+s14], $0x20, s8, s14, $0xb8;
	[tilespmem:$0xE400] =	vst v63  }
0x3c: {  	_ =	swait.ge [sflag:s24], $0x1000  }
0x3d: {  	s9 =	rddreg [dreg:$0x5]  }
0x3e: {  	s7 =	sor.u32 s9, s16  }
0x3f: {  	[sflag:s24] =	ssyncset.done $0x0;
	s7 =	sadd.s32 s4, s7  }
0x40: {  	[sflag:s24] =	ssyncadd.s32 $0xFFFFF000;
	s9 =	simm.s32 $0x7400;
	s8 =	sadd.s32 s18, s7  }
0x41: {  	[hbm4b:s8+s22] =	stream.strided.scatter [tilespmem:s9], [sflag:$0xA], $0x1000, s14, s22, $0x38;
	[tilespmem:$0xE400] =	vst v63  }
0x42: {  	s8 =	simm.s32 @!p0 $0xE  }
0x43: {  	_ =	swait.ge @!p0 [sflag:s8], $0x1000  }
0x44: {  	[sflag:s8] =	ssyncset.done @!p0 $0x0  }
0x45: {  	s20 =	sadd.s32 $0x280, s15;
	[sflag:s8] =	ssyncadd.s32 @!p0 $0xFFFFF000  }
0x46: {  	[tilespmem:s28], [sflag:$0x6] =	stream.indirect.gather [hbm4b:s3+s14], $0x20, s20, s14, $0xb8;
	[tilespmem:$0xE400] =	vst v63  }
0x47: {  	_ =	swait.ge [sflag:s26], $0x1000  }
0x48: {  	s9 =	rddreg [dreg:$0x6]  }
0x49: {  	s8 =	sor.u32 s9, s16  }
0x4a: {  	[sflag:s26] =	ssyncset.done $0x0;
	s8 =	sadd.s32 s4, s8  }
0x4b: {  	s20 =	simm.s32 $0x8400;
	[sflag:s26] =	ssyncadd.s32 $0xFFFFF000;
	s9 =	sadd.s32 s18, s8  }
0x4c: {  	[hbm4b:s9+s22] =	stream.strided.scatter [tilespmem:s20], [sflag:$0xB], $0x1000, s14, s22, $0x38;
	[tilespmem:$0xE400] =	vst v63  }
0x4d: {  	s9 =	simm.s32 @!p0 $0xF  }
0x4e: {  	_ =	swait.ge @!p0 [sflag:s9], $0x1000  }
0x4f: {  	[sflag:s9] =	ssyncset.done @!p0 $0x0  }
0x50: {  	s20 =	sadd.s32 $0x300, s15;
	[sflag:s9] =	ssyncadd.s32 @!p0 $0xFFFFF000  }
0x51: {  	[tilespmem:s30], [sflag:$0x7] =	stream.indirect.gather [hbm4b:s3+s14], $0x20, s20, s14, $0xb8;
	[tilespmem:$0xE400] =	vst v63  }
0x52: {  	_ =	swait.ge [sflag:s29], $0x1000  }
0x53: {  	s20 =	rddreg [dreg:$0x7]  }
0x54: {  	s9 =	sor.u32 s20, s16  }
0x55: {  	[sflag:s29] =	ssyncset.done $0x0;
	s9 =	sadd.s32 s4, s9  }
0x56: {  	[sflag:s29] =	ssyncadd.s32 $0xFFFFF000;
	s16 =	simm.s32 @!p0 $0x10;
	s18 =	sadd.s32 s18, s9  }
0x57: {  	[hbm4b:s18+s22] =	stream.strided.scatter [tilespmem:s23], [sflag:$0xC], $0x1000, s14, s22, $0x38;
	[tilespmem:$0xE400] =	vst v63  }
0x58: {  	_ =	swait.ge @!p0 [sflag:s16], $0x1000  }
0x59: {  	[sflag:s16] =	ssyncset.done @!p0 $0x0  }
0x5a: {  	s20 =	sadd.s32 $0x380, s15;
	[sflag:s16] =	ssyncadd.s32 @!p0 $0xFFFFF000  }
0x5b: {  	[tilespmem:s21], [sflag:$0x8] =	stream.indirect.gather [hbm4b:s3+s14], $0x20, s20, s14, $0xb8;
	[tilespmem:$0xE400] =	vst v63  }
0x5c: {  	s23 =	sadd.s32 $0x4, s5;
	_ =	swait.ge [sflag:s31], $0x1000  }
0x5d: {  	s6 =	sadd.s32 s4, s6;
	s16 =	sand.u32 $0xC, s23;
	[sflag:s31] =	ssyncset.done $0x0  }
0x5e: {  	s6 =	sadd.s32 s16, s6;
	[sflag:s31] =	ssyncadd.s32 $0xFFFFF000  }
0x5f: {  	[hbm4b:s6+s22] =	stream.strided.scatter [tilespmem:s25], [sflag:$0xD], $0x1000, s14, s22, $0x38;
	[tilespmem:$0xE400] =	vst v63  }
0x60: {  	p0 =	seq.s32 s10, $0x18000;
	_ =	swait.ge [sflag:s0], $0x1000  }
0x61: {  	s20 =	simm.s32 @!p0 $0x80;
	s6 =	sshra.s32 @!p0 s10, $0x2;
	[sflag:s0] =	ssyncset.done $0x0  }
0x62: {  	s23 =	simm.s32 @!p0 $0x6400;
	s18 =	sadd.s32 @!p0 $0x400, s6;
	[sflag:s0] =	ssyncadd.s32 $0xFFFFF000  }
0x63: {  	[tilespmem:s23], [sflag:$0x1] =	stream.indirect.gather @!p0 [hbm4b:s3+s20], $0x20, s18, s20, $0xb8;
	[tilespmem:$0xE400] =	vst v63  }
0x64: {  	_ =	swait.ge [sflag:s1], $0x1000  }
0x65: {  	[sflag:s1] =	ssyncset.done $0x0  }
0x66: {  	s7 =	sadd.s32 s16, s7;
	[sflag:s1] =	ssyncadd.s32 $0xFFFFF000  }
0x67: {  	[hbm4b:s7+s22] =	stream.strided.scatter [tilespmem:s28], [sflag:$0xE], $0x1000, s14, s22, $0x38;
	[tilespmem:$0xE400] =	vst v63  }
0x68: {  	_ =	swait.ge [sflag:s11], $0x1000  }
0x69: {  	[sflag:s11] =	ssyncset.done $0x0  }
0x6a: {  	s18 =	simm.s32 @!p0 $0x7400;
	s7 =	sadd.s32 @!p0 $0x480, s6;
	[sflag:s11] =	ssyncadd.s32 $0xFFFFF000  }
0x6b: {  	[tilespmem:s18], [sflag:$0x2] =	stream.indirect.gather @!p0 [hbm4b:s3+s20], $0x20, s7, s20, $0xb8;
	[tilespmem:$0xE400] =	vst v63  }
0x6c: {  	_ =	swait.ge [sflag:s12], $0x1000  }
0x6d: {  	[sflag:s12] =	ssyncset.done $0x0  }
0x6e: {  	s18 =	sadd.s32 s16, s8;
	[sflag:s12] =	ssyncadd.s32 $0xFFFFF000  }
0x6f: {  	[hbm4b:s18+s22] =	stream.strided.scatter [tilespmem:s30], [sflag:$0xF], $0x1000, s14, s22, $0x38;
	[tilespmem:$0xE400] =	vst v63  }
0x70: {  	_ =	swait.ge [sflag:s17], $0x1000  }
0x71: {  	[sflag:s17] =	ssyncset.done $0x0  }
0x72: {  	s6 =	sadd.s32 @!p0 $0x500, s6;
	s7 =	simm.s32 @!p0 $0x8400;
	[sflag:s17] =	ssyncadd.s32 $0xFFFFF000  }
0x73: {  	[tilespmem:s7], [sflag:$0x3] =	stream.indirect.gather @!p0 [hbm4b:s3+s20], $0x20, s6, s20, $0xb8;
	[tilespmem:$0xE400] =	vst v63  }
0x74: {  	_ =	swait.ge [sflag:s19], $0x1000  }
0x75: {  	[sflag:s19] =	ssyncset.done $0x0  }
.Ltmp2:
0x76: {  	s23 =	sadd.s32 s16, s9;
	[sflag:s19] =	ssyncadd.s32 $0xFFFFF000;
	(pc) =	sbr.rel @p0 .LBB2_4-.Ltmp2, $4  }
0x77: {  	[hbm4b:s23+s22] =	stream.strided.scatter [tilespmem:s21], [sflag:$0x10], $0x1000, s14, s22, $0x38;
	[tilespmem:$0xE400] =	vst v63  }
0x78: {  	_ =	swait.ge [sflag:s2], $0x1000  }
0x79: {  	[sflag:s2] =	ssyncset.done $0x0  }
0x7a: {  	s25 =	simm.s32 $0x9400;
	[sflag:s2] =	ssyncadd.s32 $0xFFFFF000  }
.Ltmp3:
0x7b: {  	(pc) =	sbr.rel .LBB2_2-.Ltmp3, $4  }
0x7c: {  	_ = 	snop  }
0x7d: {  	s6 =	sadd.s32 $0x580, s15;
	s10 =	sadd.s32 $0x1000, s10  }
0x7e: {  	s5 =	sadd.s32 $0x8, s5;
	s13 =	sadd.s32 $0x20000, s13;
	s23 =	simm.s32 $0x9400  }
0x7f: {  	[tilespmem:s25], [sflag:$0x4] =	stream.indirect.gather [hbm4b:s3+s14], $0x20, s6, s14, $0xb8;
	[tilespmem:$0xE400] =	vst v63  }
.LBB2_5:
0x80: {  	_ =	sfence.sel $0x180000  }
0x81: {  	[bflag:$0x0] =	sbarrier.arrive $0xFFFF  }
0x82: {  	_ =	strace $0x90000047  }
0x83: {  	s0 =	stileid.u32;
	[bflag:$0x2] =	sbarrier.arrive $0xFFFF  }
0x84: {  	p0 =	sne.s32 s0, $0x0;
	s0 =	rddreg [dreg:$0x2]  }
0x85: {  	s0 =	sadd.s32 @!p0 $0x100000, s0  }
0x86: {  	[sflag:s0] =	ssyncadd.tile.s32 @!p0 $0x1;
	_ =	shalt  }
.Lfunc_end2:
_tile_overlayer_lowered:
.L_overlay_start_2:
0x87: {  	(tag) =	ssettag $0x2  }
0x88: {  	s0 =	rddreg [dreg:$0x0];
	s2 =	stileid.u32  }
0x89: {  	s1 =	rddreg [dreg:$0x1];
	p0 =	sne.s32 s2, $0x0  }
0x8a: {  	s3 =	rddreg [dreg:$0x2];
	[bflag:$0x3] =	sbarrier.arrive $0xFFFF;
	s2 =	simm.s32 @!p0 $0x1C11  }
0x8b: {  	[timem:s3], [sflag:s2] =	dma.local @!p0 [hbm:s0], s1  }
0x8c: {  	s0 =	simm.s32 @!p0 $0x11  }
0x8d: {  	_ =	swait.ge @!p0 [sflag:s0], s1  }
0x8e: {  	s1 =	ssub.s32 @!p0 $0x0, s1;
	[sflag:s0] =	ssyncset.done @!p0 $0x0  }
0x8f: {  	[sflag:s0] =	ssyncadd.s32 @!p0 s1  }
0x90: {  	[bflag:$0x3] =	sbarrier.arrive $0xFFFF  }
0x91: {  	_ =	shalt  }

</sc_bundles>
